<compile_context>
chip_gen: v7x
topology: tpu7x:2x2x1
jax: 0.10.2.dev20260603
libtpu: 0.0.44.dev20260713+nightly
codegen_flags: <defaults>
</compile_context>

<pallas_src>
import functools

import jax
import jax.numpy as jnp
from jax import lax
from jax.experimental import pallas as pl
from jax.experimental.pallas import tpu as pltpu
from jax.experimental.pallas import tpu_sc as plsc

N = 10000
NP = 10240
D = 128
DH = D // 2
E = 320000
NC = 2
NS = 16
EPT_D = E // (NC * NS)
EPT_S = E // NS
K = 80
NCH_D = EPT_D // K
KB = 200
NCH_S = EPT_S // KB
RPT = NP // NS

_mesh = plsc.VectorSubcoreMesh(core_axis_name="c", subcore_axis_name="s")


@functools.partial(
    pl.kernel,
    out_type=jax.ShapeDtypeStruct((NC, NP, 16), jnp.float32),
    mesh=_mesh,
    compiler_params=pltpu.CompilerParams(use_tc_tiling_on_sc=False),
    scratch_types=[
        pltpu.VMEM((NCH_D, K), jnp.int32),
        pltpu.VMEM((K, 16), jnp.float32),
        pltpu.VMEM((128, 16), jnp.float32),
        pltpu.VMEM_SHARED((NP, 16), jnp.float32),
    ],
)
def _deg_kernel(dst_hbm, out_hbm, dstb, onesb, zbuf, acc):
    cid = lax.axis_index("c")
    sid = lax.axis_index("s")
    wid = sid * NC + cid

    one16 = jnp.ones((16,), jnp.float32)
    zero16 = jnp.zeros((16,), jnp.float32)

    def fill_ones(i, _):
        onesb[i] = one16
        return 0

    lax.fori_loop(0, K, fill_ones, 0)

    def fill_zero(i, _):
        zbuf[i] = zero16
        return 0

    lax.fori_loop(0, 128, fill_zero, 0)
    for b in range(RPT // 128):
        pltpu.sync_copy(zbuf, acc.at[pl.ds(sid * RPT + b * 128, 128)])
    plsc.subcore_barrier()

    pltpu.sync_copy(dst_hbm.at[wid], dstb)

    def body(j, _):
        pltpu.sync_copy(onesb, acc.at[dstb.at[j]], add=True)
        return 0

    lax.fori_loop(0, NCH_D, body, 0)
    plsc.subcore_barrier()
    pltpu.sync_copy(acc.at[pl.ds(sid * RPT, RPT)],
                    out_hbm.at[cid, pl.ds(sid * RPT, RPT)])


@functools.partial(
    pl.kernel,
    out_type=jax.ShapeDtypeStruct((NC, NP, DH), jnp.float32),
    mesh=_mesh,
    compiler_params=pltpu.CompilerParams(use_tc_tiling_on_sc=False),
    scratch_types=[
        pltpu.VMEM((EPT_S,), jnp.int32),
        pltpu.VMEM((EPT_S,), jnp.int32),
        pltpu.VMEM((3, KB, DH), jnp.float32),
        pltpu.VMEM_SHARED((NP, DH), jnp.float32),
        pltpu.SemaphoreType.DMA,
        pltpu.SemaphoreType.DMA,
    ],
)
def _scatter_kernel(h_hbm, src_hbm, dst_hbm, out_hbm, srcb, dstb, rows,
                    acc, gsem, ssem):
    cid = lax.axis_index("c")
    sid = lax.axis_index("s")

    pltpu.sync_copy(h_hbm.at[cid, pl.ds(sid * RPT, RPT)],
                    acc.at[pl.ds(sid * RPT, RPT)])
    plsc.subcore_barrier()

    pltpu.sync_copy(src_hbm.at[sid], srcb)
    pltpu.sync_copy(dst_hbm.at[sid], dstb)

    def gstart(j, buf):
        pltpu.async_copy(h_hbm.at[cid].at[srcb.at[pl.ds(j * KB, KB)]],
                         rows.at[buf], gsem)

    def gwait(buf):
        pltpu.make_async_copy(h_hbm.at[cid].at[srcb.at[pl.ds(0, KB)]],
                              rows.at[buf], gsem).wait()

    def sstart(j, buf):
        pltpu.async_copy(rows.at[buf], acc.at[dstb.at[pl.ds(j * KB, KB)]],
                         ssem, add=True)

    def swait(buf):
        pltpu.make_async_copy(rows.at[buf], acc.at[dstb.at[pl.ds(0, KB)]],
                              ssem).wait()

    for b in range(3):
        gstart(b, b)

    def triple(q, _):
        c0 = 3 * q
        for b in range(3):
            gwait(b)
            sstart(c0 + b, b)
        for b in range(3):
            swait(b)
            gstart(jnp.minimum(c0 + 3 + b, NCH_S - 1), b)
        return 0

    lax.fori_loop(0, NCH_S // 3, triple, 0)
    gwait(0)
    sstart(NCH_S - 1, 0)
    gwait(1)
    gwait(2)
    swait(0)
    plsc.subcore_barrier()
    pltpu.sync_copy(acc.at[pl.ds(sid * RPT, RPT)],
                    out_hbm.at[cid, pl.ds(sid * RPT, RPT)])


_R = 1024
_RF = 1000


def _dis3(d_refs):
    d0_ref, d1_ref = d_refs
    deg = d0_ref[0, :, 0:1] + d1_ref[0, :, 0:1] + 1.0
    return lax.rsqrt(deg)


def _mm_scale_body(d0_ref, d1_ref, x_ref, w_ref, o_ref):
    dis = _dis3((d0_ref, d1_ref))
    o_ref[...] = (dis * jnp.dot(x_ref[...], w_ref[0],
                                preferred_element_type=jnp.float32))[None]


def _mid_body(d0_ref, d1_ref, sa_ref, sb_ref, b_ref, w_ref, o_ref):
    dis = _dis3((d0_ref, d1_ref))
    za = dis * sa_ref[0] + b_ref[:, :DH]
    zb = dis * sb_ref[0] + b_ref[:, DH:]
    a = jnp.concatenate([jnp.maximum(za, 0.0), jnp.maximum(zb, 0.0)], axis=1)
    o_ref[...] = (dis * jnp.dot(a, w_ref[0],
                                preferred_element_type=jnp.float32))[None]


def _final_body(d0_ref, d1_ref, ta_ref, tb_ref, b_ref, o_ref):
    dis = _dis3((d0_ref, d1_ref))
    o_ref[...] = dis * jnp.concatenate(
        [ta_ref[0], tb_ref[0]], axis=1
    ) + b_ref[...]


def _dspec(r):
    return [pl.BlockSpec((1, r, 16), lambda i, *_: (0, i, 0)),
            pl.BlockSpec((1, r, 16), lambda i, *_: (1, i, 0))]


def _hspecs(r):
    return [pl.BlockSpec((1, r, DH), lambda i, *_: (0, i, 0)),
            pl.BlockSpec((1, r, DH), lambda i, *_: (1, i, 0))]


_H_OUT = jax.ShapeDtypeStruct((NC, NP, DH), jnp.float32)

_mm_scale = pl.pallas_call(
    _mm_scale_body,
    grid=(NP // _R, NC),
    in_specs=_dspec(_R) + [
        pl.BlockSpec((_R, D), lambda i, c: (i, 0)),
        pl.BlockSpec((1, D, DH), lambda i, c: (c, 0, 0)),
    ],
    out_specs=pl.BlockSpec((1, _R, DH), lambda i, c: (c, i, 0)),
    out_shape=_H_OUT,
)

_mid = pl.pallas_call(
    _mid_body,
    grid=(NP // _R, NC),
    in_specs=_dspec(_R) + _hspecs(_R) + [
        pl.BlockSpec((1, D), lambda i, c: (0, 0)),
        pl.BlockSpec((1, D, DH), lambda i, c: (c, 0, 0)),
    ],
    out_specs=pl.BlockSpec((1, _R, DH), lambda i, c: (c, i, 0)),
    out_shape=_H_OUT,
)

_final = pl.pallas_call(
    _final_body,
    grid=(N // _RF,),
    in_specs=_dspec(_RF) + _hspecs(_RF) + [
        pl.BlockSpec((1, D), lambda i: (0, 0)),
    ],
    out_specs=pl.BlockSpec((_RF, D), lambda i: (i, 0)),
    out_shape=jax.ShapeDtypeStruct((N, D), jnp.float32),
)


def kernel(x, edge_index, W1, b1, W2, b2):
    src_d = edge_index[0].astype(jnp.int32).reshape(NC * NS, NCH_D, K)
    dst_d = edge_index[1].astype(jnp.int32).reshape(NC * NS, NCH_D, K)
    src_s = edge_index[0].astype(jnp.int32).reshape(NS, EPT_S)
    dst_s = edge_index[1].astype(jnp.int32).reshape(NS, EPT_S)
    xp = jnp.pad(x, ((0, NP - N), (0, 0)))
    b1r = b1.reshape(1, D)
    b2r = b2.reshape(1, D)
    W1s = jnp.stack([W1[:, :DH], W1[:, DH:]])
    W2s = jnp.stack([W2[:, :DH], W2[:, DH:]])

    degp = _deg_kernel(dst_d)

    h1 = _mm_scale(degp, degp, xp, W1s)
    s = _scatter_kernel(h1, src_s, dst_s)
    h2 = _mid(degp, degp, s, s, b1r, W2s)
    t = _scatter_kernel(h2, src_s, dst_s)
    return _final(degp, degp, t, t, b2r)

# --- scband reference (transcript-rebuilt; emitter-appended) ---
"""Pipeline reference for scband-gnnstack-26551487824702 (READ-ONLY COPY).

The authoritative reference and input builder live on the scoring server;
editing this copy changes nothing except your own understanding.
"""

import jax, jax.numpy as jnp
import numpy as np

N_NODES = 10000
N_EDGES = 320000
D = 128


def setup_inputs(seed: int = 0) -> dict:
    key = jax.random.key(seed)
    k1, k2, k3, k4, k5, k6 = jax.random.split(key, 6)
    x = jax.random.normal(k1, (N_NODES, D), dtype=jnp.float32)
    edge_index = jax.random.randint(k2, (2, N_EDGES), 0, N_NODES, dtype=jnp.int64)
    s1 = (1.0 / np.sqrt(D)).astype(np.float32) if isinstance(np.sqrt(D), np.ndarray) else np.float32(1.0 / np.sqrt(D))
    W1 = jax.random.normal(k3, (D, D), dtype=jnp.float32) * s1
    b1 = jnp.zeros((D,), dtype=jnp.float32)
    W2 = jax.random.normal(k4, (D, D), dtype=jnp.float32) * s1
    b2 = jnp.zeros((D,), dtype=jnp.float32)
    return {"x": x, "edge_index": edge_index, "W1": W1, "b1": b1, "W2": W2, "b2": b2}


def _gcn_norm(edge_index, num_nodes):
    # add self loops
    sl = jnp.arange(num_nodes, dtype=edge_index.dtype)
    src = jnp.concatenate([edge_index[0], sl])
    dst = jnp.concatenate([edge_index[1], sl])
    ones = jnp.ones_like(src, dtype=jnp.float32)
    deg = jax.ops.segment_sum(ones, dst, num_segments=num_nodes)
    deg_inv_sqrt = jnp.where(deg > 0, 1.0 / jnp.sqrt(jnp.maximum(deg, 1e-12)), 0.0)
    norm = deg_inv_sqrt[src] * deg_inv_sqrt[dst]
    return src, dst, norm


def _gcn_layer(h, src, dst, norm, W, b, num_nodes):
    h = h @ W
    msg = h[src] * norm[:, None]
    out = jax.ops.segment_sum(msg, dst, num_segments=num_nodes)
    return out + b


def reference(x, edge_index, W1, b1, W2, b2):
    N = x.shape[0]
    src, dst, norm = _gcn_norm(edge_index, N)
    h = _gcn_layer(x, src, dst, norm, W1, b1, N)
    h = jax.nn.relu(h)
    out = _gcn_layer(h, src, dst, norm, W2, b2, N)
    return out

if __name__ == "__main__":
    import jax
    _d = setup_inputs()
    print(jax.jit(kernel)(*tuple(_d.values())))

</pallas_src>

<mosaic_0001>
#map = affine_map<(d0, d1) -> (0, 0, 0)>
module attributes {stable_mosaic.version = 14 : i64} {
  func.func @_deg_kernel(%arg0: i32, %arg1: i32, %arg2: memref<32x125x80xi32, #tpu.memory_space<hbm>>, %arg3: memref<2x10240x16xf32, #tpu.memory_space<hbm>>, %arg4: memref<125x80xi32, #tpu.memory_space<vmem>>, %arg5: memref<80x16xf32, #tpu.memory_space<vmem>>, %arg6: memref<128x16xf32, #tpu.memory_space<vmem>>, %arg7: memref<10240x16xf32, #tpu.memory_space<vmem_shared>>) attributes {dimension_semantics = [#tpu.dimension_semantics<core_parallel>, #tpu.dimension_semantics<subcore_parallel>], iteration_bounds = array<i64: 2, 16>, scalar_prefetch = 0 : i64, scratch_operands = 4 : i64, tpu.core_type = #tpu.core_type<sc_vector_subcore>, window_params = [{transform_indices = #map}, {transform_indices = #map}]} {
    %mul3A = arith.constant 2 : i32
    %mul3A_0 = arith.muli %arg1, %mul3A : i32
    %add3A = arith.addi %mul3A_0, %arg0 : i32
    %broadcast_in_dim3A = arith.constant 1.000000e+00 : f32
    %broadcast_in_dim3A_1 = vector.broadcast %broadcast_in_dim3A : f32 to vector<16xf32>
    %broadcast_in_dim3A_2 = arith.constant 0.000000e+00 : f32
    %broadcast_in_dim3A_3 = vector.broadcast %broadcast_in_dim3A_2 : f32 to vector<16xf32>
    %scan3A = arith.constant 0 : i32
    %scan3A_4 = arith.constant 0 : i32
    %scan3A_5 = arith.constant 80 : i32
    %scan3A_6 = arith.addi %scan3A_4, %scan3A_5 : i32
    %scan3A_7 = arith.constant 1 : i32
    %scan3A_8 = scf.for %scan3A_49 = %scan3A_4 to %scan3A_6 step %scan3A_7 iter_args(%scan3A_50 = %scan3A) -> (i32)  : i32 {
      %swap3A = arith.index_cast %scan3A_49 : i32 to index
      %swap3A_51 = arith.constant 0 : index
      %swap3A_52 = tpu.vector_load %arg5[%swap3A, %swap3A_51] {strides = array<i32>} : memref<80x16xf32, #tpu.memory_space<vmem>>, vector<1x16xf32>,
      %swap3A_53 = vector.shape_cast %swap3A_52 : vector<1x16xf32> to vector<16xf32>
      %swap3A_54 = vector.shape_cast %broadcast_in_dim3A_1 : vector<16xf32> to vector<1x16xf32>
      tpu.vector_store %arg5[%swap3A, %swap3A_51], %swap3A_54 {strides = array<i32>} : memref<80x16xf32, #tpu.memory_space<vmem>>, vector<1x16xf32>,
      %scan3A_55 = arith.constant 0 : i32
      scf.yield %scan3A_55 : i32
    }
    %scan3A_9 = arith.constant 80 : i32
    %scan3A_10 = arith.constant 0 : i32
    %scan3A_11 = arith.constant 0 : i32
    %scan3A_12 = arith.constant 128 : i32
    %scan3A_13 = arith.addi %scan3A_11, %scan3A_12 : i32
    %scan3A_14 = arith.constant 1 : i32
    %scan3A_15 = scf.for %scan3A_49 = %scan3A_11 to %scan3A_13 step %scan3A_14 iter_args(%scan3A_50 = %scan3A_10) -> (i32)  : i32 {
      %swap3A = arith.index_cast %scan3A_49 : i32 to index
      %swap3A_51 = arith.constant 0 : index
      %swap3A_52 = tpu.vector_load %arg6[%swap3A, %swap3A_51] {strides = array<i32>} : memref<128x16xf32, #tpu.memory_space<vmem>>, vector<1x16xf32>,
      %swap3A_53 = vector.shape_cast %swap3A_52 : vector<1x16xf32> to vector<16xf32>
      %swap3A_54 = vector.shape_cast %broadcast_in_dim3A_3 : vector<16xf32> to vector<1x16xf32>
      tpu.vector_store %arg6[%swap3A, %swap3A_51], %swap3A_54 {strides = array<i32>} : memref<128x16xf32, #tpu.memory_space<vmem>>, vector<1x16xf32>,
      %scan3A_55 = arith.constant 0 : i32
      scf.yield %scan3A_55 : i32
    }
    %scan3A_16 = arith.constant 128 : i32
    %mul3A_17 = arith.constant 640 : i32
    %mul3A_18 = arith.muli %arg1, %mul3A_17 : i32
    %add3A_19 = arith.constant 0 : i32
    %add3A_20 = arith.addi %mul3A_18, %add3A_19 : i32
    "tpu.region"() ({
      %run_scoped3A = tpu.sem_alloc : memref<!tpu.dma_semaphore, #tpu.memory_space<semaphore_mem>>
      %dma_start3A = arith.constant 0 : i32
      %dma_start3A_49 = tpu.memref_slice %arg7[%add3A_20, %dma_start3A] : memref<10240x16xf32, #tpu.memory_space<vmem_shared>> -> memref<128x16xf32, #tpu.memory_space<vmem_shared>>
      %dma_start3A_50 = arith.constant 0 : i32
      %dma_start3A_51 = tpu.memref_slice %arg7[%add3A_20, %dma_start3A_50] : memref<10240x16xf32, #tpu.memory_space<vmem_shared>> -> memref<128x16xf32, #tpu.memory_space<vmem_shared>>
      tpu.enqueue_dma source(%arg6 : memref<128x16xf32, #tpu.memory_space<vmem>>) target(%dma_start3A_51 : memref<128x16xf32, #tpu.memory_space<vmem_shared>>) target_semaphore(%run_scoped3A : memref<!tpu.dma_semaphore, #tpu.memory_space<semaphore_mem>>)
      %dma_wait3A = arith.constant 0 : i32
      %dma_wait3A_52 = tpu.memref_slice %arg7[%add3A_20, %dma_wait3A] : memref<10240x16xf32, #tpu.memory_space<vmem_shared>> -> memref<128x16xf32, #tpu.memory_space<vmem_shared>>
      %dma_wait3A_53 = arith.constant 0 : i32
      %dma_wait3A_54 = tpu.memref_slice %arg7[%add3A_20, %dma_wait3A_53] : memref<10240x16xf32, #tpu.memory_space<vmem_shared>> -> memref<128x16xf32, #tpu.memory_space<vmem_shared>>
      tpu.wait_dma2 semaphore(%run_scoped3A : memref<!tpu.dma_semaphore, #tpu.memory_space<semaphore_mem>>) src(%arg6 : memref<128x16xf32, #tpu.memory_space<vmem>>) dst(%dma_wait3A_54 : memref<128x16xf32, #tpu.memory_space<vmem_shared>>)
      tpu.yield
    }) : () -> ()
    %mul3A_21 = arith.constant 640 : i32
    %mul3A_22 = arith.muli %arg1, %mul3A_21 : i32
    %add3A_23 = arith.constant 128 : i32
    %add3A_24 = arith.addi %mul3A_22, %add3A_23 : i32
    "tpu.region"() ({
      %run_scoped3A = tpu.sem_alloc : memref<!tpu.dma_semaphore, #tpu.memory_space<semaphore_mem>>
      %dma_start3A = arith.constant 0 : i32
      %dma_start3A_49 = tpu.memref_slice %arg7[%add3A_24, %dma_start3A] : memref<10240x16xf32, #tpu.memory_space<vmem_shared>> -> memref<128x16xf32, #tpu.memory_space<vmem_shared>>
      %dma_start3A_50 = arith.constant 0 : i32
      %dma_start3A_51 = tpu.memref_slice %arg7[%add3A_24, %dma_start3A_50] : memref<10240x16xf32, #tpu.memory_space<vmem_shared>> -> memref<128x16xf32, #tpu.memory_space<vmem_shared>>
      tpu.enqueue_dma source(%arg6 : memref<128x16xf32, #tpu.memory_space<vmem>>) target(%dma_start3A_51 : memref<128x16xf32, #tpu.memory_space<vmem_shared>>) target_semaphore(%run_scoped3A : memref<!tpu.dma_semaphore, #tpu.memory_space<semaphore_mem>>)
      %dma_wait3A = arith.constant 0 : i32
      %dma_wait3A_52 = tpu.memref_slice %arg7[%add3A_24, %dma_wait3A] : memref<10240x16xf32, #tpu.memory_space<vmem_shared>> -> memref<128x16xf32, #tpu.memory_space<vmem_shared>>
      %dma_wait3A_53 = arith.constant 0 : i32
      %dma_wait3A_54 = tpu.memref_slice %arg7[%add3A_24, %dma_wait3A_53] : memref<10240x16xf32, #tpu.memory_space<vmem_shared>> -> memref<128x16xf32, #tpu.memory_space<vmem_shared>>
      tpu.wait_dma2 semaphore(%run_scoped3A : memref<!tpu.dma_semaphore, #tpu.memory_space<semaphore_mem>>) src(%arg6 : memref<128x16xf32, #tpu.memory_space<vmem>>) dst(%dma_wait3A_54 : memref<128x16xf32, #tpu.memory_space<vmem_shared>>)
      tpu.yield
    }) : () -> ()
    %mul3A_25 = arith.constant 640 : i32
    %mul3A_26 = arith.muli %arg1, %mul3A_25 : i32
    %add3A_27 = arith.constant 256 : i32
    %add3A_28 = arith.addi %mul3A_26, %add3A_27 : i32
    "tpu.region"() ({
      %run_scoped3A = tpu.sem_alloc : memref<!tpu.dma_semaphore, #tpu.memory_space<semaphore_mem>>
      %dma_start3A = arith.constant 0 : i32
      %dma_start3A_49 = tpu.memref_slice %arg7[%add3A_28, %dma_start3A] : memref<10240x16xf32, #tpu.memory_space<vmem_shared>> -> memref<128x16xf32, #tpu.memory_space<vmem_shared>>
      %dma_start3A_50 = arith.constant 0 : i32
      %dma_start3A_51 = tpu.memref_slice %arg7[%add3A_28, %dma_start3A_50] : memref<10240x16xf32, #tpu.memory_space<vmem_shared>> -> memref<128x16xf32, #tpu.memory_space<vmem_shared>>
      tpu.enqueue_dma source(%arg6 : memref<128x16xf32, #tpu.memory_space<vmem>>) target(%dma_start3A_51 : memref<128x16xf32, #tpu.memory_space<vmem_shared>>) target_semaphore(%run_scoped3A : memref<!tpu.dma_semaphore, #tpu.memory_space<semaphore_mem>>)
      %dma_wait3A = arith.constant 0 : i32
      %dma_wait3A_52 = tpu.memref_slice %arg7[%add3A_28, %dma_wait3A] : memref<10240x16xf32, #tpu.memory_space<vmem_shared>> -> memref<128x16xf32, #tpu.memory_space<vmem_shared>>
      %dma_wait3A_53 = arith.constant 0 : i32
      %dma_wait3A_54 = tpu.memref_slice %arg7[%add3A_28, %dma_wait3A_53] : memref<10240x16xf32, #tpu.memory_space<vmem_shared>> -> memref<128x16xf32, #tpu.memory_space<vmem_shared>>
      tpu.wait_dma2 semaphore(%run_scoped3A : memref<!tpu.dma_semaphore, #tpu.memory_space<semaphore_mem>>) src(%arg6 : memref<128x16xf32, #tpu.memory_space<vmem>>) dst(%dma_wait3A_54 : memref<128x16xf32, #tpu.memory_space<vmem_shared>>)
      tpu.yield
    }) : () -> ()
    %mul3A_29 = arith.constant 640 : i32
    %mul3A_30 = arith.muli %arg1, %mul3A_29 : i32
    %add3A_31 = arith.constant 384 : i32
    %add3A_32 = arith.addi %mul3A_30, %add3A_31 : i32
    "tpu.region"() ({
      %run_scoped3A = tpu.sem_alloc : memref<!tpu.dma_semaphore, #tpu.memory_space<semaphore_mem>>
      %dma_start3A = arith.constant 0 : i32
      %dma_start3A_49 = tpu.memref_slice %arg7[%add3A_32, %dma_start3A] : memref<10240x16xf32, #tpu.memory_space<vmem_shared>> -> memref<128x16xf32, #tpu.memory_space<vmem_shared>>
      %dma_start3A_50 = arith.constant 0 : i32
      %dma_start3A_51 = tpu.memref_slice %arg7[%add3A_32, %dma_start3A_50] : memref<10240x16xf32, #tpu.memory_space<vmem_shared>> -> memref<128x16xf32, #tpu.memory_space<vmem_shared>>
      tpu.enqueue_dma source(%arg6 : memref<128x16xf32, #tpu.memory_space<vmem>>) target(%dma_start3A_51 : memref<128x16xf32, #tpu.memory_space<vmem_shared>>) target_semaphore(%run_scoped3A : memref<!tpu.dma_semaphore, #tpu.memory_space<semaphore_mem>>)
      %dma_wait3A = arith.constant 0 : i32
      %dma_wait3A_52 = tpu.memref_slice %arg7[%add3A_32, %dma_wait3A] : memref<10240x16xf32, #tpu.memory_space<vmem_shared>> -> memref<128x16xf32, #tpu.memory_space<vmem_shared>>
      %dma_wait3A_53 = arith.constant 0 : i32
      %dma_wait3A_54 = tpu.memref_slice %arg7[%add3A_32, %dma_wait3A_53] : memref<10240x16xf32, #tpu.memory_space<vmem_shared>> -> memref<128x16xf32, #tpu.memory_space<vmem_shared>>
      tpu.wait_dma2 semaphore(%run_scoped3A : memref<!tpu.dma_semaphore, #tpu.memory_space<semaphore_mem>>) src(%arg6 : memref<128x16xf32, #tpu.memory_space<vmem>>) dst(%dma_wait3A_54 : memref<128x16xf32, #tpu.memory_space<vmem_shared>>)
      tpu.yield
    }) : () -> ()
    %mul3A_33 = arith.constant 640 : i32
    %mul3A_34 = arith.muli %arg1, %mul3A_33 : i32
    %add3A_35 = arith.constant 512 : i32
    %add3A_36 = arith.addi %mul3A_34, %add3A_35 : i32
    "tpu.region"() ({
      %run_scoped3A = tpu.sem_alloc : memref<!tpu.dma_semaphore, #tpu.memory_space<semaphore_mem>>
      %dma_start3A = arith.constant 0 : i32
      %dma_start3A_49 = tpu.memref_slice %arg7[%add3A_36, %dma_start3A] : memref<10240x16xf32, #tpu.memory_space<vmem_shared>> -> memref<128x16xf32, #tpu.memory_space<vmem_shared>>
      %dma_start3A_50 = arith.constant 0 : i32
      %dma_start3A_51 = tpu.memref_slice %arg7[%add3A_36, %dma_start3A_50] : memref<10240x16xf32, #tpu.memory_space<vmem_shared>> -> memref<128x16xf32, #tpu.memory_space<vmem_shared>>
      tpu.enqueue_dma source(%arg6 : memref<128x16xf32, #tpu.memory_space<vmem>>) target(%dma_start3A_51 : memref<128x16xf32, #tpu.memory_space<vmem_shared>>) target_semaphore(%run_scoped3A : memref<!tpu.dma_semaphore, #tpu.memory_space<semaphore_mem>>)
      %dma_wait3A = arith.constant 0 : i32
      %dma_wait3A_52 = tpu.memref_slice %arg7[%add3A_36, %dma_wait3A] : memref<10240x16xf32, #tpu.memory_space<vmem_shared>> -> memref<128x16xf32, #tpu.memory_space<vmem_shared>>
      %dma_wait3A_53 = arith.constant 0 : i32
      %dma_wait3A_54 = tpu.memref_slice %arg7[%add3A_36, %dma_wait3A_53] : memref<10240x16xf32, #tpu.memory_space<vmem_shared>> -> memref<128x16xf32, #tpu.memory_space<vmem_shared>>
      tpu.wait_dma2 semaphore(%run_scoped3A : memref<!tpu.dma_semaphore, #tpu.memory_space<semaphore_mem>>) src(%arg6 : memref<128x16xf32, #tpu.memory_space<vmem>>) dst(%dma_wait3A_54 : memref<128x16xf32, #tpu.memory_space<vmem_shared>>)
      tpu.yield
    }) : () -> ()
    %barrier3A = arith.constant 0 : index
    tpu.barrier barrier_id(%barrier3A)
    "tpu.region"() ({
      %run_scoped3A = tpu.sem_alloc : memref<!tpu.dma_semaphore, #tpu.memory_space<semaphore_mem>>
      %dma_start3A = arith.constant 0 : i32
      %dma_start3A_49 = arith.constant 0 : i32
      %dma_start3A_50 = tpu.memref_slice %arg2[%add3A, %dma_start3A, %dma_start3A_49] : memref<32x125x80xi32, #tpu.memory_space<hbm>> -> memref<1x125x80xi32, #tpu.memory_space<hbm>>
      %dma_start3A_51 = tpu.memref_squeeze %dma_start3A_50 : memref<1x125x80xi32, #tpu.memory_space<hbm>> -> memref<125x80xi32, #tpu.memory_space<hbm>>
      %dma_start3A_52 = arith.constant 0 : i32
      %dma_start3A_53 = arith.constant 0 : i32
      %dma_start3A_54 = tpu.memref_slice %arg2[%add3A, %dma_start3A_52, %dma_start3A_53] : memref<32x125x80xi32, #tpu.memory_space<hbm>> -> memref<1x125x80xi32, #tpu.memory_space<hbm>>
      %dma_start3A_55 = tpu.memref_squeeze %dma_start3A_54 : memref<1x125x80xi32, #tpu.memory_space<hbm>> -> memref<125x80xi32, #tpu.memory_space<hbm>>
      tpu.enqueue_dma source(%dma_start3A_55 : memref<125x80xi32, #tpu.memory_space<hbm>>) target(%arg4 : memref<125x80xi32, #tpu.memory_space<vmem>>) target_semaphore(%run_scoped3A : memref<!tpu.dma_semaphore, #tpu.memory_space<semaphore_mem>>)
      %dma_wait3A = arith.constant 0 : i32
      %dma_wait3A_56 = arith.constant 0 : i32
      %dma_wait3A_57 = tpu.memref_slice %arg2[%add3A, %dma_wait3A, %dma_wait3A_56] : memref<32x125x80xi32, #tpu.memory_space<hbm>> -> memref<1x125x80xi32, #tpu.memory_space<hbm>>
      %dma_wait3A_58 = tpu.memref_squeeze %dma_wait3A_57 : memref<1x125x80xi32, #tpu.memory_space<hbm>> -> memref<125x80xi32, #tpu.memory_space<hbm>>
      %dma_wait3A_59 = arith.constant 0 : i32
      %dma_wait3A_60 = arith.constant 0 : i32
      %dma_wait3A_61 = tpu.memref_slice %arg2[%add3A, %dma_wait3A_59, %dma_wait3A_60] : memref<32x125x80xi32, #tpu.memory_space<hbm>> -> memref<1x125x80xi32, #tpu.memory_space<hbm>>
      %dma_wait3A_62 = tpu.memref_squeeze %dma_wait3A_61 : memref<1x125x80xi32, #tpu.memory_space<hbm>> -> memref<125x80xi32, #tpu.memory_space<hbm>>
      tpu.wait_dma2 semaphore(%run_scoped3A : memref<!tpu.dma_semaphore, #tpu.memory_space<semaphore_mem>>) src(%dma_wait3A_62 : memref<125x80xi32, #tpu.memory_space<hbm>>) dst(%arg4 : memref<125x80xi32, #tpu.memory_space<vmem>>)
      tpu.yield
    }) : () -> ()
    %scan3A_37 = arith.constant 0 : i32
    %scan3A_38 = arith.constant 0 : i32
    %scan3A_39 = arith.constant 125 : i32
    %scan3A_40 = arith.addi %scan3A_38, %scan3A_39 : i32
    %scan3A_41 = arith.constant 1 : i32
    %scan3A_42 = scf.for %scan3A_49 = %scan3A_38 to %scan3A_40 step %scan3A_41 iter_args(%scan3A_50 = %scan3A_37) -> (i32)  : i32 {
      "tpu.region"() ({
        %run_scoped3A = tpu.sem_alloc : memref<!tpu.dma_semaphore, #tpu.memory_space<semaphore_mem>>
        %dma_start3A = arith.constant 0 : i32
        %dma_start3A_52 = tpu.memref_slice %arg4[%scan3A_49, %dma_start3A] : memref<125x80xi32, #tpu.memory_space<vmem>> -> memref<1x80xi32, #tpu.memory_space<vmem>>
        %dma_start3A_53 = tpu.memref_squeeze %dma_start3A_52 : memref<1x80xi32, #tpu.memory_space<vmem>> -> memref<80xi32, #tpu.memory_space<vmem>>
        %dma_start3A_54 = arith.constant 0 : i32
        %dma_start3A_55 = arith.constant 0 : i32
        %dma_start3A_56 = tpu.memref_slice %arg7[%dma_start3A_54, %dma_start3A_55] : memref<10240x16xf32, #tpu.memory_space<vmem_shared>> -> memref<10240x16xf32, #tpu.memory_space<vmem_shared>>
        tpu.enqueue_indirect_dma source(%arg5 : memref<80x16xf32, #tpu.memory_space<vmem>>) target(%dma_start3A_56 : memref<10240x16xf32, #tpu.memory_space<vmem_shared>>) offsets(%dma_start3A_53 : memref<80xi32, #tpu.memory_space<vmem>>) semaphore(%run_scoped3A : memref<!tpu.dma_semaphore, #tpu.memory_space<semaphore_mem>>) {add = true}
        %dma_wait3A = arith.constant 0 : i32
        %dma_wait3A_57 = tpu.memref_slice %arg4[%scan3A_49, %dma_wait3A] : memref<125x80xi32, #tpu.memory_space<vmem>> -> memref<1x80xi32, #tpu.memory_space<vmem>>
        %dma_wait3A_58 = tpu.memref_squeeze %dma_wait3A_57 : memref<1x80xi32, #tpu.memory_space<vmem>> -> memref<80xi32, #tpu.memory_space<vmem>>
        %dma_wait3A_59 = arith.constant 0 : i32
        %dma_wait3A_60 = arith.constant 0 : i32
        %dma_wait3A_61 = tpu.memref_slice %arg7[%dma_wait3A_59, %dma_wait3A_60] : memref<10240x16xf32, #tpu.memory_space<vmem_shared>> -> memref<10240x16xf32, #tpu.memory_space<vmem_shared>>
        tpu.wait_indirect_dma semaphore(%run_scoped3A : memref<!tpu.dma_semaphore, #tpu.memory_space<semaphore_mem>>) src(%arg5 : memref<80x16xf32, #tpu.memory_space<vmem>>) dst(%dma_wait3A_61 : memref<10240x16xf32, #tpu.memory_space<vmem_shared>>)
        tpu.yield
      }) : () -> ()
      %scan3A_51 = arith.constant 0 : i32
      scf.yield %scan3A_51 : i32
    }
    %scan3A_43 = arith.constant 125 : i32
    %barrier3A_44 = arith.constant 0 : index
    tpu.barrier barrier_id(%barrier3A_44)
    %mul3A_45 = arith.constant 640 : i32
    %mul3A_46 = arith.muli %arg1, %mul3A_45 : i32
    %mul3A_47 = arith.constant 640 : i32
    %mul3A_48 = arith.muli %arg1, %mul3A_47 : i32
    "tpu.region"() ({
      %run_scoped3A = tpu.sem_alloc : memref<!tpu.dma_semaphore, #tpu.memory_space<semaphore_mem>>
      %dma_start3A = arith.constant 0 : i32
      %dma_start3A_49 = tpu.memref_slice %arg3[%arg0, %mul3A_48, %dma_start3A] : memref<2x10240x16xf32, #tpu.memory_space<hbm>> -> memref<1x640x16xf32, #tpu.memory_space<hbm>>
      %dma_start3A_50 = tpu.memref_squeeze %dma_start3A_49 : memref<1x640x16xf32, #tpu.memory_space<hbm>> -> memref<640x16xf32, #tpu.memory_space<hbm>>
      %dma_start3A_51 = arith.constant 0 : i32
      %dma_start3A_52 = tpu.memref_slice %arg7[%mul3A_46, %dma_start3A_51] : memref<10240x16xf32, #tpu.memory_space<vmem_shared>> -> memref<640x16xf32, #tpu.memory_space<vmem_shared>>
      tpu.enqueue_dma source(%dma_start3A_52 : memref<640x16xf32, #tpu.memory_space<vmem_shared>>) target(%dma_start3A_50 : memref<640x16xf32, #tpu.memory_space<hbm>>) target_semaphore(%run_scoped3A : memref<!tpu.dma_semaphore, #tpu.memory_space<semaphore_mem>>)
      %dma_wait3A = arith.constant 0 : i32
      %dma_wait3A_53 = tpu.memref_slice %arg3[%arg0, %mul3A_48, %dma_wait3A] : memref<2x10240x16xf32, #tpu.memory_space<hbm>> -> memref<1x640x16xf32, #tpu.memory_space<hbm>>
      %dma_wait3A_54 = tpu.memref_squeeze %dma_wait3A_53 : memref<1x640x16xf32, #tpu.memory_space<hbm>> -> memref<640x16xf32, #tpu.memory_space<hbm>>
      %dma_wait3A_55 = arith.constant 0 : i32
      %dma_wait3A_56 = tpu.memref_slice %arg7[%mul3A_46, %dma_wait3A_55] : memref<10240x16xf32, #tpu.memory_space<vmem_shared>> -> memref<640x16xf32, #tpu.memory_space<vmem_shared>>
      tpu.wait_dma2 semaphore(%run_scoped3A : memref<!tpu.dma_semaphore, #tpu.memory_space<semaphore_mem>>) src(%dma_wait3A_56 : memref<640x16xf32, #tpu.memory_space<vmem_shared>>) dst(%dma_wait3A_54 : memref<640x16xf32, #tpu.memory_space<hbm>>)
      tpu.yield
    }) : () -> ()
    return
  }
}

#map = affine_map<(d0, d1) -> (0, 0, 0)>
#map1 = affine_map<(d0, d1) -> (0, 0)>
module attributes {stable_mosaic.version = 14 : i64} {
  func.func @_scatter_kernel(%arg0: i32, %arg1: i32, %arg2: memref<2x10240x64xf32, #tpu.memory_space<hbm>>, %arg3: memref<16x20000xi32, #tpu.memory_space<hbm>>, %arg4: memref<16x20000xi32, #tpu.memory_space<hbm>>, %arg5: memref<2x10240x64xf32, #tpu.memory_space<hbm>>, %arg6: memref<20000xi32, #tpu.memory_space<vmem>>, %arg7: memref<20000xi32, #tpu.memory_space<vmem>>, %arg8: memref<3x200x64xf32, #tpu.memory_space<vmem>>, %arg9: memref<10240x64xf32, #tpu.memory_space<vmem_shared>>, %arg10: memref<!tpu.dma_semaphore, #tpu.memory_space<semaphore_mem>>, %arg11: memref<!tpu.dma_semaphore, #tpu.memory_space<semaphore_mem>>) attributes {dimension_semantics = [#tpu.dimension_semantics<core_parallel>, #tpu.dimension_semantics<subcore_parallel>], iteration_bounds = array<i64: 2, 16>, scalar_prefetch = 0 : i64, scratch_operands = 6 : i64, tpu.core_type = #tpu.core_type<sc_vector_subcore>, window_params = [{transform_indices = #map}, {transform_indices = #map1}, {transform_indices = #map1}, {transform_indices = #map}]} {
    %mul3A = arith.constant 640 : i32
    %mul3A_0 = arith.muli %arg1, %mul3A : i32
    %mul3A_1 = arith.constant 640 : i32
    %mul3A_2 = arith.muli %arg1, %mul3A_1 : i32
    "tpu.region"() ({
      %run_scoped3A = tpu.sem_alloc : memref<!tpu.dma_semaphore, #tpu.memory_space<semaphore_mem>>
      %dma_start3A_116 = arith.constant 0 : i32
      %dma_start3A_117 = tpu.memref_slice %arg9[%mul3A_2, %dma_start3A_116] : memref<10240x64xf32, #tpu.memory_space<vmem_shared>> -> memref<640x64xf32, #tpu.memory_space<vmem_shared>>
      %dma_start3A_118 = arith.constant 0 : i32
      %dma_start3A_119 = tpu.memref_slice %arg2[%arg0, %mul3A_0, %dma_start3A_118] : memref<2x10240x64xf32, #tpu.memory_space<hbm>> -> memref<1x640x64xf32, #tpu.memory_space<hbm>>
      %dma_start3A_120 = tpu.memref_squeeze %dma_start3A_119 : memref<1x640x64xf32, #tpu.memory_space<hbm>> -> memref<640x64xf32, #tpu.memory_space<hbm>>
      tpu.enqueue_dma source(%dma_start3A_120 : memref<640x64xf32, #tpu.memory_space<hbm>>) target(%dma_start3A_117 : memref<640x64xf32, #tpu.memory_space<vmem_shared>>) target_semaphore(%run_scoped3A : memref<!tpu.dma_semaphore, #tpu.memory_space<semaphore_mem>>)
      %dma_wait3A_121 = arith.constant 0 : i32
      %dma_wait3A_122 = tpu.memref_slice %arg9[%mul3A_2, %dma_wait3A_121] : memref<10240x64xf32, #tpu.memory_space<vmem_shared>> -> memref<640x64xf32, #tpu.memory_space<vmem_shared>>
      %dma_wait3A_123 = arith.constant 0 : i32
      %dma_wait3A_124 = tpu.memref_slice %arg2[%arg0, %mul3A_0, %dma_wait3A_123] : memref<2x10240x64xf32, #tpu.memory_space<hbm>> -> memref<1x640x64xf32, #tpu.memory_space<hbm>>
      %dma_wait3A_125 = tpu.memref_squeeze %dma_wait3A_124 : memref<1x640x64xf32, #tpu.memory_space<hbm>> -> memref<640x64xf32, #tpu.memory_space<hbm>>
      tpu.wait_dma2 semaphore(%run_scoped3A : memref<!tpu.dma_semaphore, #tpu.memory_space<semaphore_mem>>) src(%dma_wait3A_125 : memref<640x64xf32, #tpu.memory_space<hbm>>) dst(%dma_wait3A_122 : memref<640x64xf32, #tpu.memory_space<vmem_shared>>)
      tpu.yield
    }) : () -> ()
    %barrier3A = arith.constant 0 : index
    tpu.barrier barrier_id(%barrier3A)
    "tpu.region"() ({
      %run_scoped3A = tpu.sem_alloc : memref<!tpu.dma_semaphore, #tpu.memory_space<semaphore_mem>>
      %dma_start3A_116 = arith.constant 0 : i32
      %dma_start3A_117 = tpu.memref_slice %arg3[%arg1, %dma_start3A_116] : memref<16x20000xi32, #tpu.memory_space<hbm>> -> memref<1x20000xi32, #tpu.memory_space<hbm>>
      %dma_start3A_118 = tpu.memref_squeeze %dma_start3A_117 : memref<1x20000xi32, #tpu.memory_space<hbm>> -> memref<20000xi32, #tpu.memory_space<hbm>>
      %dma_start3A_119 = arith.constant 0 : i32
      %dma_start3A_120 = tpu.memref_slice %arg3[%arg1, %dma_start3A_119] : memref<16x20000xi32, #tpu.memory_space<hbm>> -> memref<1x20000xi32, #tpu.memory_space<hbm>>
      %dma_start3A_121 = tpu.memref_squeeze %dma_start3A_120 : memref<1x20000xi32, #tpu.memory_space<hbm>> -> memref<20000xi32, #tpu.memory_space<hbm>>
      tpu.enqueue_dma source(%dma_start3A_121 : memref<20000xi32, #tpu.memory_space<hbm>>) target(%arg6 : memref<20000xi32, #tpu.memory_space<vmem>>) target_semaphore(%run_scoped3A : memref<!tpu.dma_semaphore, #tpu.memory_space<semaphore_mem>>)
      %dma_wait3A_122 = arith.constant 0 : i32
      %dma_wait3A_123 = tpu.memref_slice %arg3[%arg1, %dma_wait3A_122] : memref<16x20000xi32, #tpu.memory_space<hbm>> -> memref<1x20000xi32, #tpu.memory_space<hbm>>
      %dma_wait3A_124 = tpu.memref_squeeze %dma_wait3A_123 : memref<1x20000xi32, #tpu.memory_space<hbm>> -> memref<20000xi32, #tpu.memory_space<hbm>>
      %dma_wait3A_125 = arith.constant 0 : i32
      %dma_wait3A_126 = tpu.memref_slice %arg3[%arg1, %dma_wait3A_125] : memref<16x20000xi32, #tpu.memory_space<hbm>> -> memref<1x20000xi32, #tpu.memory_space<hbm>>
      %dma_wait3A_127 = tpu.memref_squeeze %dma_wait3A_126 : memref<1x20000xi32, #tpu.memory_space<hbm>> -> memref<20000xi32, #tpu.memory_space<hbm>>
      tpu.wait_dma2 semaphore(%run_scoped3A : memref<!tpu.dma_semaphore, #tpu.memory_space<semaphore_mem>>) src(%dma_wait3A_127 : memref<20000xi32, #tpu.memory_space<hbm>>) dst(%arg6 : memref<20000xi32, #tpu.memory_space<vmem>>)
      tpu.yield
    }) : () -> ()
    "tpu.region"() ({
      %run_scoped3A = tpu.sem_alloc : memref<!tpu.dma_semaphore, #tpu.memory_space<semaphore_mem>>
      %dma_start3A_116 = arith.constant 0 : i32
      %dma_start3A_117 = tpu.memref_slice %arg4[%arg1, %dma_start3A_116] : memref<16x20000xi32, #tpu.memory_space<hbm>> -> memref<1x20000xi32, #tpu.memory_space<hbm>>
      %dma_start3A_118 = tpu.memref_squeeze %dma_start3A_117 : memref<1x20000xi32, #tpu.memory_space<hbm>> -> memref<20000xi32, #tpu.memory_space<hbm>>
      %dma_start3A_119 = arith.constant 0 : i32
      %dma_start3A_120 = tpu.memref_slice %arg4[%arg1, %dma_start3A_119] : memref<16x20000xi32, #tpu.memory_space<hbm>> -> memref<1x20000xi32, #tpu.memory_space<hbm>>
      %dma_start3A_121 = tpu.memref_squeeze %dma_start3A_120 : memref<1x20000xi32, #tpu.memory_space<hbm>> -> memref<20000xi32, #tpu.memory_space<hbm>>
      tpu.enqueue_dma source(%dma_start3A_121 : memref<20000xi32, #tpu.memory_space<hbm>>) target(%arg7 : memref<20000xi32, #tpu.memory_space<vmem>>) target_semaphore(%run_scoped3A : memref<!tpu.dma_semaphore, #tpu.memory_space<semaphore_mem>>)
      %dma_wait3A_122 = arith.constant 0 : i32
      %dma_wait3A_123 = tpu.memref_slice %arg4[%arg1, %dma_wait3A_122] : memref<16x20000xi32, #tpu.memory_space<hbm>> -> memref<1x20000xi32, #tpu.memory_space<hbm>>
      %dma_wait3A_124 = tpu.memref_squeeze %dma_wait3A_123 : memref<1x20000xi32, #tpu.memory_space<hbm>> -> memref<20000xi32, #tpu.memory_space<hbm>>
      %dma_wait3A_125 = arith.constant 0 : i32
      %dma_wait3A_126 = tpu.memref_slice %arg4[%arg1, %dma_wait3A_125] : memref<16x20000xi32, #tpu.memory_space<hbm>> -> memref<1x20000xi32, #tpu.memory_space<hbm>>
      %dma_wait3A_127 = tpu.memref_squeeze %dma_wait3A_126 : memref<1x20000xi32, #tpu.memory_space<hbm>> -> memref<20000xi32, #tpu.memory_space<hbm>>
      tpu.wait_dma2 semaphore(%run_scoped3A : memref<!tpu.dma_semaphore, #tpu.memory_space<semaphore_mem>>) src(%dma_wait3A_127 : memref<20000xi32, #tpu.memory_space<hbm>>) dst(%arg7 : memref<20000xi32, #tpu.memory_space<vmem>>)
      tpu.yield
    }) : () -> ()
    %dma_start3A = arith.constant 0 : i32
    %dma_start3A_3 = arith.constant 0 : i32
    %dma_start3A_4 = arith.constant 0 : i32
    %dma_start3A_5 = tpu.memref_slice %arg8[%dma_start3A, %dma_start3A_3, %dma_start3A_4] : memref<3x200x64xf32, #tpu.memory_space<vmem>> -> memref<1x200x64xf32, #tpu.memory_space<vmem>>
    %dma_start3A_6 = tpu.memref_squeeze %dma_start3A_5 : memref<1x200x64xf32, #tpu.memory_space<vmem>> -> memref<200x64xf32, #tpu.memory_space<vmem>>
    %dma_start3A_7 = arith.constant 0 : i32
    %dma_start3A_8 = tpu.memref_slice %arg6[%dma_start3A_7] : memref<20000xi32, #tpu.memory_space<vmem>> -> memref<200xi32, #tpu.memory_space<vmem>>
    %dma_start3A_9 = arith.constant 0 : i32
    %dma_start3A_10 = arith.constant 0 : i32
    %dma_start3A_11 = tpu.memref_slice %arg2[%arg0, %dma_start3A_9, %dma_start3A_10] : memref<2x10240x64xf32, #tpu.memory_space<hbm>> -> memref<1x10240x64xf32, #tpu.memory_space<hbm>>
    %dma_start3A_12 = tpu.memref_squeeze %dma_start3A_11 : memref<1x10240x64xf32, #tpu.memory_space<hbm>> -> memref<10240x64xf32, #tpu.memory_space<hbm>>
    %dma_start3A_13 = arith.constant 0 : i32
    %dma_start3A_14 = arith.constant 0 : i32
    %dma_start3A_15 = tpu.memref_slice %dma_start3A_12[%dma_start3A_13, %dma_start3A_14] : memref<10240x64xf32, #tpu.memory_space<hbm>> -> memref<10240x64xf32, #tpu.memory_space<hbm>>
    tpu.enqueue_indirect_dma source(%dma_start3A_15 : memref<10240x64xf32, #tpu.memory_space<hbm>>) target(%dma_start3A_6 : memref<200x64xf32, #tpu.memory_space<vmem>>) offsets(%dma_start3A_8 : memref<200xi32, #tpu.memory_space<vmem>>) semaphore(%arg10 : memref<!tpu.dma_semaphore, #tpu.memory_space<semaphore_mem>>)
    %dma_start3A_16 = arith.constant 1 : i32
    %dma_start3A_17 = arith.constant 0 : i32
    %dma_start3A_18 = arith.constant 0 : i32
    %dma_start3A_19 = tpu.memref_slice %arg8[%dma_start3A_16, %dma_start3A_17, %dma_start3A_18] : memref<3x200x64xf32, #tpu.memory_space<vmem>> -> memref<1x200x64xf32, #tpu.memory_space<vmem>>
    %dma_start3A_20 = tpu.memref_squeeze %dma_start3A_19 : memref<1x200x64xf32, #tpu.memory_space<vmem>> -> memref<200x64xf32, #tpu.memory_space<vmem>>
    %dma_start3A_21 = arith.constant 200 : i32
    %dma_start3A_22 = tpu.memref_slice %arg6[%dma_start3A_21] : memref<20000xi32, #tpu.memory_space<vmem>> -> memref<200xi32, #tpu.memory_space<vmem>>
    %dma_start3A_23 = arith.constant 0 : i32
    %dma_start3A_24 = arith.constant 0 : i32
    %dma_start3A_25 = tpu.memref_slice %arg2[%arg0, %dma_start3A_23, %dma_start3A_24] : memref<2x10240x64xf32, #tpu.memory_space<hbm>> -> memref<1x10240x64xf32, #tpu.memory_space<hbm>>
    %dma_start3A_26 = tpu.memref_squeeze %dma_start3A_25 : memref<1x10240x64xf32, #tpu.memory_space<hbm>> -> memref<10240x64xf32, #tpu.memory_space<hbm>>
    %dma_start3A_27 = arith.constant 0 : i32
    %dma_start3A_28 = arith.constant 0 : i32
    %dma_start3A_29 = tpu.memref_slice %dma_start3A_26[%dma_start3A_27, %dma_start3A_28] : memref<10240x64xf32, #tpu.memory_space<hbm>> -> memref<10240x64xf32, #tpu.memory_space<hbm>>
    tpu.enqueue_indirect_dma source(%dma_start3A_29 : memref<10240x64xf32, #tpu.memory_space<hbm>>) target(%dma_start3A_20 : memref<200x64xf32, #tpu.memory_space<vmem>>) offsets(%dma_start3A_22 : memref<200xi32, #tpu.memory_space<vmem>>) semaphore(%arg10 : memref<!tpu.dma_semaphore, #tpu.memory_space<semaphore_mem>>)
    %dma_start3A_30 = arith.constant 2 : i32
    %dma_start3A_31 = arith.constant 0 : i32
    %dma_start3A_32 = arith.constant 0 : i32
    %dma_start3A_33 = tpu.memref_slice %arg8[%dma_start3A_30, %dma_start3A_31, %dma_start3A_32] : memref<3x200x64xf32, #tpu.memory_space<vmem>> -> memref<1x200x64xf32, #tpu.memory_space<vmem>>
    %dma_start3A_34 = tpu.memref_squeeze %dma_start3A_33 : memref<1x200x64xf32, #tpu.memory_space<vmem>> -> memref<200x64xf32, #tpu.memory_space<vmem>>
    %dma_start3A_35 = arith.constant 400 : i32
    %dma_start3A_36 = tpu.memref_slice %arg6[%dma_start3A_35] : memref<20000xi32, #tpu.memory_space<vmem>> -> memref<200xi32, #tpu.memory_space<vmem>>
    %dma_start3A_37 = arith.constant 0 : i32
    %dma_start3A_38 = arith.constant 0 : i32
    %dma_start3A_39 = tpu.memref_slice %arg2[%arg0, %dma_start3A_37, %dma_start3A_38] : memref<2x10240x64xf32, #tpu.memory_space<hbm>> -> memref<1x10240x64xf32, #tpu.memory_space<hbm>>
    %dma_start3A_40 = tpu.memref_squeeze %dma_start3A_39 : memref<1x10240x64xf32, #tpu.memory_space<hbm>> -> memref<10240x64xf32, #tpu.memory_space<hbm>>
    %dma_start3A_41 = arith.constant 0 : i32
    %dma_start3A_42 = arith.constant 0 : i32
    %dma_start3A_43 = tpu.memref_slice %dma_start3A_40[%dma_start3A_41, %dma_start3A_42] : memref<10240x64xf32, #tpu.memory_space<hbm>> -> memref<10240x64xf32, #tpu.memory_space<hbm>>
    tpu.enqueue_indirect_dma source(%dma_start3A_43 : memref<10240x64xf32, #tpu.memory_space<hbm>>) target(%dma_start3A_34 : memref<200x64xf32, #tpu.memory_space<vmem>>) offsets(%dma_start3A_36 : memref<200xi32, #tpu.memory_space<vmem>>) semaphore(%arg10 : memref<!tpu.dma_semaphore, #tpu.memory_space<semaphore_mem>>)
    %scan3A = arith.constant 0 : i32
    %scan3A_44 = arith.constant 0 : i32
    %scan3A_45 = arith.constant 33 : i32
    %scan3A_46 = arith.addi %scan3A_44, %scan3A_45 : i32
    %scan3A_47 = arith.constant 1 : i32
    %scan3A_48 = scf.for %scan3A_116 = %scan3A_44 to %scan3A_46 step %scan3A_47 iter_args(%scan3A_117 = %scan3A) -> (i32)  : i32 {
      %mul3A_118 = arith.constant 3 : i32
      %mul3A_119 = arith.muli %mul3A_118, %scan3A_116 : i32
      %dma_wait3A_120 = arith.constant 0 : i32
      %dma_wait3A_121 = arith.constant 0 : i32
      %dma_wait3A_122 = arith.constant 0 : i32
      %dma_wait3A_123 = tpu.memref_slice %arg8[%dma_wait3A_120, %dma_wait3A_121, %dma_wait3A_122] : memref<3x200x64xf32, #tpu.memory_space<vmem>> -> memref<1x200x64xf32, #tpu.memory_space<vmem>>
      %dma_wait3A_124 = tpu.memref_squeeze %dma_wait3A_123 : memref<1x200x64xf32, #tpu.memory_space<vmem>> -> memref<200x64xf32, #tpu.memory_space<vmem>>
      %dma_wait3A_125 = arith.constant 0 : i32
      %dma_wait3A_126 = tpu.memref_slice %arg6[%dma_wait3A_125] : memref<20000xi32, #tpu.memory_space<vmem>> -> memref<200xi32, #tpu.memory_space<vmem>>
      %dma_wait3A_127 = arith.constant 0 : i32
      %dma_wait3A_128 = arith.constant 0 : i32
      %dma_wait3A_129 = tpu.memref_slice %arg2[%arg0, %dma_wait3A_127, %dma_wait3A_128] : memref<2x10240x64xf32, #tpu.memory_space<hbm>> -> memref<1x10240x64xf32, #tpu.memory_space<hbm>>
      %dma_wait3A_130 = tpu.memref_squeeze %dma_wait3A_129 : memref<1x10240x64xf32, #tpu.memory_space<hbm>> -> memref<10240x64xf32, #tpu.memory_space<hbm>>
      %dma_wait3A_131 = arith.constant 0 : i32
      %dma_wait3A_132 = arith.constant 0 : i32
      %dma_wait3A_133 = tpu.memref_slice %dma_wait3A_130[%dma_wait3A_131, %dma_wait3A_132] : memref<10240x64xf32, #tpu.memory_space<hbm>> -> memref<10240x64xf32, #tpu.memory_space<hbm>>
      tpu.wait_indirect_dma semaphore(%arg10 : memref<!tpu.dma_semaphore, #tpu.memory_space<semaphore_mem>>) src(%dma_wait3A_133 : memref<10240x64xf32, #tpu.memory_space<hbm>>) dst(%dma_wait3A_124 : memref<200x64xf32, #tpu.memory_space<vmem>>)
      %add3A = arith.constant 0 : i32
      %add3A_134 = arith.addi %mul3A_119, %add3A : i32
      %mul3A_135 = arith.constant 200 : i32
      %mul3A_136 = arith.muli %add3A_134, %mul3A_135 : i32
      %dma_start3A_137 = arith.constant 0 : i32
      %dma_start3A_138 = arith.constant 0 : i32
      %dma_start3A_139 = arith.constant 0 : i32
      %dma_start3A_140 = tpu.memref_slice %arg8[%dma_start3A_137, %dma_start3A_138, %dma_start3A_139] : memref<3x200x64xf32, #tpu.memory_space<vmem>> -> memref<1x200x64xf32, #tpu.memory_space<vmem>>
      %dma_start3A_141 = tpu.memref_squeeze %dma_start3A_140 : memref<1x200x64xf32, #tpu.memory_space<vmem>> -> memref<200x64xf32, #tpu.memory_space<vmem>>
      %dma_start3A_142 = tpu.memref_slice %arg7[%mul3A_136] : memref<20000xi32, #tpu.memory_space<vmem>> -> memref<200xi32, #tpu.memory_space<vmem>>
      %dma_start3A_143 = arith.constant 0 : i32
      %dma_start3A_144 = arith.constant 0 : i32
      %dma_start3A_145 = tpu.memref_slice %arg9[%dma_start3A_143, %dma_start3A_144] : memref<10240x64xf32, #tpu.memory_space<vmem_shared>> -> memref<10240x64xf32, #tpu.memory_space<vmem_shared>>
      tpu.enqueue_indirect_dma source(%dma_start3A_141 : memref<200x64xf32, #tpu.memory_space<vmem>>) target(%dma_start3A_145 : memref<10240x64xf32, #tpu.memory_space<vmem_shared>>) offsets(%dma_start3A_142 : memref<200xi32, #tpu.memory_space<vmem>>) semaphore(%arg11 : memref<!tpu.dma_semaphore, #tpu.memory_space<semaphore_mem>>) {add = true}
      %dma_wait3A_146 = arith.constant 1 : i32
      %dma_wait3A_147 = arith.constant 0 : i32
      %dma_wait3A_148 = arith.constant 0 : i32
      %dma_wait3A_149 = tpu.memref_slice %arg8[%dma_wait3A_146, %dma_wait3A_147, %dma_wait3A_148] : memref<3x200x64xf32, #tpu.memory_space<vmem>> -> memref<1x200x64xf32, #tpu.memory_space<vmem>>
      %dma_wait3A_150 = tpu.memref_squeeze %dma_wait3A_149 : memref<1x200x64xf32, #tpu.memory_space<vmem>> -> memref<200x64xf32, #tpu.memory_space<vmem>>
      %dma_wait3A_151 = arith.constant 0 : i32
      %dma_wait3A_152 = tpu.memref_slice %arg6[%dma_wait3A_151] : memref<20000xi32, #tpu.memory_space<vmem>> -> memref<200xi32, #tpu.memory_space<vmem>>
      %dma_wait3A_153 = arith.constant 0 : i32
      %dma_wait3A_154 = arith.constant 0 : i32
      %dma_wait3A_155 = tpu.memref_slice %arg2[%arg0, %dma_wait3A_153, %dma_wait3A_154] : memref<2x10240x64xf32, #tpu.memory_space<hbm>> -> memref<1x10240x64xf32, #tpu.memory_space<hbm>>
      %dma_wait3A_156 = tpu.memref_squeeze %dma_wait3A_155 : memref<1x10240x64xf32, #tpu.memory_space<hbm>> -> memref<10240x64xf32, #tpu.memory_space<hbm>>
      %dma_wait3A_157 = arith.constant 0 : i32
      %dma_wait3A_158 = arith.constant 0 : i32
      %dma_wait3A_159 = tpu.memref_slice %dma_wait3A_156[%dma_wait3A_157, %dma_wait3A_158] : memref<10240x64xf32, #tpu.memory_space<hbm>> -> memref<10240x64xf32, #tpu.memory_space<hbm>>
      tpu.wait_indirect_dma semaphore(%arg10 : memref<!tpu.dma_semaphore, #tpu.memory_space<semaphore_mem>>) src(%dma_wait3A_159 : memref<10240x64xf32, #tpu.memory_space<hbm>>) dst(%dma_wait3A_150 : memref<200x64xf32, #tpu.memory_space<vmem>>)
      %add3A_160 = arith.constant 1 : i32
      %add3A_161 = arith.addi %mul3A_119, %add3A_160 : i32
      %mul3A_162 = arith.constant 200 : i32
      %mul3A_163 = arith.muli %add3A_161, %mul3A_162 : i32
      %dma_start3A_164 = arith.constant 1 : i32
      %dma_start3A_165 = arith.constant 0 : i32
      %dma_start3A_166 = arith.constant 0 : i32
      %dma_start3A_167 = tpu.memref_slice %arg8[%dma_start3A_164, %dma_start3A_165, %dma_start3A_166] : memref<3x200x64xf32, #tpu.memory_space<vmem>> -> memref<1x200x64xf32, #tpu.memory_space<vmem>>
      %dma_start3A_168 = tpu.memref_squeeze %dma_start3A_167 : memref<1x200x64xf32, #tpu.memory_space<vmem>> -> memref<200x64xf32, #tpu.memory_space<vmem>>
      %dma_start3A_169 = tpu.memref_slice %arg7[%mul3A_163] : memref<20000xi32, #tpu.memory_space<vmem>> -> memref<200xi32, #tpu.memory_space<vmem>>
      %dma_start3A_170 = arith.constant 0 : i32
      %dma_start3A_171 = arith.constant 0 : i32
      %dma_start3A_172 = tpu.memref_slice %arg9[%dma_start3A_170, %dma_start3A_171] : memref<10240x64xf32, #tpu.memory_space<vmem_shared>> -> memref<10240x64xf32, #tpu.memory_space<vmem_shared>>
      tpu.enqueue_indirect_dma source(%dma_start3A_168 : memref<200x64xf32, #tpu.memory_space<vmem>>) target(%dma_start3A_172 : memref<10240x64xf32, #tpu.memory_space<vmem_shared>>) offsets(%dma_start3A_169 : memref<200xi32, #tpu.memory_space<vmem>>) semaphore(%arg11 : memref<!tpu.dma_semaphore, #tpu.memory_space<semaphore_mem>>) {add = true}
      %dma_wait3A_173 = arith.constant 2 : i32
      %dma_wait3A_174 = arith.constant 0 : i32
      %dma_wait3A_175 = arith.constant 0 : i32
      %dma_wait3A_176 = tpu.memref_slice %arg8[%dma_wait3A_173, %dma_wait3A_174, %dma_wait3A_175] : memref<3x200x64xf32, #tpu.memory_space<vmem>> -> memref<1x200x64xf32, #tpu.memory_space<vmem>>
      %dma_wait3A_177 = tpu.memref_squeeze %dma_wait3A_176 : memref<1x200x64xf32, #tpu.memory_space<vmem>> -> memref<200x64xf32, #tpu.memory_space<vmem>>
      %dma_wait3A_178 = arith.constant 0 : i32
      %dma_wait3A_179 = tpu.memref_slice %arg6[%dma_wait3A_178] : memref<20000xi32, #tpu.memory_space<vmem>> -> memref<200xi32, #tpu.memory_space<vmem>>
      %dma_wait3A_180 = arith.constant 0 : i32
      %dma_wait3A_181 = arith.constant 0 : i32
      %dma_wait3A_182 = tpu.memref_slice %arg2[%arg0, %dma_wait3A_180, %dma_wait3A_181] : memref<2x10240x64xf32, #tpu.memory_space<hbm>> -> memref<1x10240x64xf32, #tpu.memory_space<hbm>>
      %dma_wait3A_183 = tpu.memref_squeeze %dma_wait3A_182 : memref<1x10240x64xf32, #tpu.memory_space<hbm>> -> memref<10240x64xf32, #tpu.memory_space<hbm>>
      %dma_wait3A_184 = arith.constant 0 : i32
      %dma_wait3A_185 = arith.constant 0 : i32
      %dma_wait3A_186 = tpu.memref_slice %dma_wait3A_183[%dma_wait3A_184, %dma_wait3A_185] : memref<10240x64xf32, #tpu.memory_space<hbm>> -> memref<10240x64xf32, #tpu.memory_space<hbm>>
      tpu.wait_indirect_dma semaphore(%arg10 : memref<!tpu.dma_semaphore, #tpu.memory_space<semaphore_mem>>) src(%dma_wait3A_186 : memref<10240x64xf32, #tpu.memory_space<hbm>>) dst(%dma_wait3A_177 : memref<200x64xf32, #tpu.memory_space<vmem>>)
      %add3A_187 = arith.constant 2 : i32
      %add3A_188 = arith.addi %mul3A_119, %add3A_187 : i32
      %mul3A_189 = arith.constant 200 : i32
      %mul3A_190 = arith.muli %add3A_188, %mul3A_189 : i32
      %dma_start3A_191 = arith.constant 2 : i32
      %dma_start3A_192 = arith.constant 0 : i32
      %dma_start3A_193 = arith.constant 0 : i32
      %dma_start3A_194 = tpu.memref_slice %arg8[%dma_start3A_191, %dma_start3A_192, %dma_start3A_193] : memref<3x200x64xf32, #tpu.memory_space<vmem>> -> memref<1x200x64xf32, #tpu.memory_space<vmem>>
      %dma_start3A_195 = tpu.memref_squeeze %dma_start3A_194 : memref<1x200x64xf32, #tpu.memory_space<vmem>> -> memref<200x64xf32, #tpu.memory_space<vmem>>
      %dma_start3A_196 = tpu.memref_slice %arg7[%mul3A_190] : memref<20000xi32, #tpu.memory_space<vmem>> -> memref<200xi32, #tpu.memory_space<vmem>>
      %dma_start3A_197 = arith.constant 0 : i32
      %dma_start3A_198 = arith.constant 0 : i32
      %dma_start3A_199 = tpu.memref_slice %arg9[%dma_start3A_197, %dma_start3A_198] : memref<10240x64xf32, #tpu.memory_space<vmem_shared>> -> memref<10240x64xf32, #tpu.memory_space<vmem_shared>>
      tpu.enqueue_indirect_dma source(%dma_start3A_195 : memref<200x64xf32, #tpu.memory_space<vmem>>) target(%dma_start3A_199 : memref<10240x64xf32, #tpu.memory_space<vmem_shared>>) offsets(%dma_start3A_196 : memref<200xi32, #tpu.memory_space<vmem>>) semaphore(%arg11 : memref<!tpu.dma_semaphore, #tpu.memory_space<semaphore_mem>>) {add = true}
      %dma_wait3A_200 = arith.constant 0 : i32
      %dma_wait3A_201 = arith.constant 0 : i32
      %dma_wait3A_202 = arith.constant 0 : i32
      %dma_wait3A_203 = tpu.memref_slice %arg8[%dma_wait3A_200, %dma_wait3A_201, %dma_wait3A_202] : memref<3x200x64xf32, #tpu.memory_space<vmem>> -> memref<1x200x64xf32, #tpu.memory_space<vmem>>
      %dma_wait3A_204 = tpu.memref_squeeze %dma_wait3A_203 : memref<1x200x64xf32, #tpu.memory_space<vmem>> -> memref<200x64xf32, #tpu.memory_space<vmem>>
      %dma_wait3A_205 = arith.constant 0 : i32
      %dma_wait3A_206 = tpu.memref_slice %arg7[%dma_wait3A_205] : memref<20000xi32, #tpu.memory_space<vmem>> -> memref<200xi32, #tpu.memory_space<vmem>>
      %dma_wait3A_207 = arith.constant 0 : i32
      %dma_wait3A_208 = arith.constant 0 : i32
      %dma_wait3A_209 = tpu.memref_slice %arg9[%dma_wait3A_207, %dma_wait3A_208] : memref<10240x64xf32, #tpu.memory_space<vmem_shared>> -> memref<10240x64xf32, #tpu.memory_space<vmem_shared>>
      tpu.wait_indirect_dma semaphore(%arg11 : memref<!tpu.dma_semaphore, #tpu.memory_space<semaphore_mem>>) src(%dma_wait3A_204 : memref<200x64xf32, #tpu.memory_space<vmem>>) dst(%dma_wait3A_209 : memref<10240x64xf32, #tpu.memory_space<vmem_shared>>)
      %add3A_210 = arith.constant 3 : i32
      %add3A_211 = arith.addi %mul3A_119, %add3A_210 : i32
      %add3A_212 = arith.constant 0 : i32
      %add3A_213 = arith.addi %add3A_211, %add3A_212 : i32
      %min3A = arith.constant 99 : i32
      %min3A_214 = arith.minsi %add3A_213, %min3A : i32
      %mul3A_215 = arith.constant 200 : i32
      %mul3A_216 = arith.muli %min3A_214, %mul3A_215 : i32
      %dma_start3A_217 = arith.constant 0 : i32
      %dma_start3A_218 = arith.constant 0 : i32
      %dma_start3A_219 = arith.constant 0 : i32
      %dma_start3A_220 = tpu.memref_slice %arg8[%dma_start3A_217, %dma_start3A_218, %dma_start3A_219] : memref<3x200x64xf32, #tpu.memory_space<vmem>> -> memref<1x200x64xf32, #tpu.memory_space<vmem>>
      %dma_start3A_221 = tpu.memref_squeeze %dma_start3A_220 : memref<1x200x64xf32, #tpu.memory_space<vmem>> -> memref<200x64xf32, #tpu.memory_space<vmem>>
      %dma_start3A_222 = tpu.memref_slice %arg6[%mul3A_216] : memref<20000xi32, #tpu.memory_space<vmem>> -> memref<200xi32, #tpu.memory_space<vmem>>
      %dma_start3A_223 = arith.constant 0 : i32
      %dma_start3A_224 = arith.constant 0 : i32
      %dma_start3A_225 = tpu.memref_slice %arg2[%arg0, %dma_start3A_223, %dma_start3A_224] : memref<2x10240x64xf32, #tpu.memory_space<hbm>> -> memref<1x10240x64xf32, #tpu.memory_space<hbm>>
      %dma_start3A_226 = tpu.memref_squeeze %dma_start3A_225 : memref<1x10240x64xf32, #tpu.memory_space<hbm>> -> memref<10240x64xf32, #tpu.memory_space<hbm>>
      %dma_start3A_227 = arith.constant 0 : i32
      %dma_start3A_228 = arith.constant 0 : i32
      %dma_start3A_229 = tpu.memref_slice %dma_start3A_226[%dma_start3A_227, %dma_start3A_228] : memref<10240x64xf32, #tpu.memory_space<hbm>> -> memref<10240x64xf32, #tpu.memory_space<hbm>>
      tpu.enqueue_indirect_dma source(%dma_start3A_229 : memref<10240x64xf32, #tpu.memory_space<hbm>>) target(%dma_start3A_221 : memref<200x64xf32, #tpu.memory_space<vmem>>) offsets(%dma_start3A_222 : memref<200xi32, #tpu.memory_space<vmem>>) semaphore(%arg10 : memref<!tpu.dma_semaphore, #tpu.memory_space<semaphore_mem>>)
      %dma_wait3A_230 = arith.constant 1 : i32
      %dma_wait3A_231 = arith.constant 0 : i32
      %dma_wait3A_232 = arith.constant 0 : i32
      %dma_wait3A_233 = tpu.memref_slice %arg8[%dma_wait3A_230, %dma_wait3A_231, %dma_wait3A_232] : memref<3x200x64xf32, #tpu.memory_space<vmem>> -> memref<1x200x64xf32, #tpu.memory_space<vmem>>
      %dma_wait3A_234 = tpu.memref_squeeze %dma_wait3A_233 : memref<1x200x64xf32, #tpu.memory_space<vmem>> -> memref<200x64xf32, #tpu.memory_space<vmem>>
      %dma_wait3A_235 = arith.constant 0 : i32
      %dma_wait3A_236 = tpu.memref_slice %arg7[%dma_wait3A_235] : memref<20000xi32, #tpu.memory_space<vmem>> -> memref<200xi32, #tpu.memory_space<vmem>>
      %dma_wait3A_237 = arith.constant 0 : i32
      %dma_wait3A_238 = arith.constant 0 : i32
      %dma_wait3A_239 = tpu.memref_slice %arg9[%dma_wait3A_237, %dma_wait3A_238] : memref<10240x64xf32, #tpu.memory_space<vmem_shared>> -> memref<10240x64xf32, #tpu.memory_space<vmem_shared>>
      tpu.wait_indirect_dma semaphore(%arg11 : memref<!tpu.dma_semaphore, #tpu.memory_space<semaphore_mem>>) src(%dma_wait3A_234 : memref<200x64xf32, #tpu.memory_space<vmem>>) dst(%dma_wait3A_239 : memref<10240x64xf32, #tpu.memory_space<vmem_shared>>)
      %add3A_240 = arith.constant 3 : i32
      %add3A_241 = arith.addi %mul3A_119, %add3A_240 : i32
      %add3A_242 = arith.constant 1 : i32
      %add3A_243 = arith.addi %add3A_241, %add3A_242 : i32
      %min3A_244 = arith.constant 99 : i32
      %min3A_245 = arith.minsi %add3A_243, %min3A_244 : i32
      %mul3A_246 = arith.constant 200 : i32
      %mul3A_247 = arith.muli %min3A_245, %mul3A_246 : i32
      %dma_start3A_248 = arith.constant 1 : i32
      %dma_start3A_249 = arith.constant 0 : i32
      %dma_start3A_250 = arith.constant 0 : i32
      %dma_start3A_251 = tpu.memref_slice %arg8[%dma_start3A_248, %dma_start3A_249, %dma_start3A_250] : memref<3x200x64xf32, #tpu.memory_space<vmem>> -> memref<1x200x64xf32, #tpu.memory_space<vmem>>
      %dma_start3A_252 = tpu.memref_squeeze %dma_start3A_251 : memref<1x200x64xf32, #tpu.memory_space<vmem>> -> memref<200x64xf32, #tpu.memory_space<vmem>>
      %dma_start3A_253 = tpu.memref_slice %arg6[%mul3A_247] : memref<20000xi32, #tpu.memory_space<vmem>> -> memref<200xi32, #tpu.memory_space<vmem>>
      %dma_start3A_254 = arith.constant 0 : i32
      %dma_start3A_255 = arith.constant 0 : i32
      %dma_start3A_256 = tpu.memref_slice %arg2[%arg0, %dma_start3A_254, %dma_start3A_255] : memref<2x10240x64xf32, #tpu.memory_space<hbm>> -> memref<1x10240x64xf32, #tpu.memory_space<hbm>>
      %dma_start3A_257 = tpu.memref_squeeze %dma_start3A_256 : memref<1x10240x64xf32, #tpu.memory_space<hbm>> -> memref<10240x64xf32, #tpu.memory_space<hbm>>
      %dma_start3A_258 = arith.constant 0 : i32
      %dma_start3A_259 = arith.constant 0 : i32
      %dma_start3A_260 = tpu.memref_slice %dma_start3A_257[%dma_start3A_258, %dma_start3A_259] : memref<10240x64xf32, #tpu.memory_space<hbm>> -> memref<10240x64xf32, #tpu.memory_space<hbm>>
      tpu.enqueue_indirect_dma source(%dma_start3A_260 : memref<10240x64xf32, #tpu.memory_space<hbm>>) target(%dma_start3A_252 : memref<200x64xf32, #tpu.memory_space<vmem>>) offsets(%dma_start3A_253 : memref<200xi32, #tpu.memory_space<vmem>>) semaphore(%arg10 : memref<!tpu.dma_semaphore, #tpu.memory_space<semaphore_mem>>)
      %dma_wait3A_261 = arith.constant 2 : i32
      %dma_wait3A_262 = arith.constant 0 : i32
      %dma_wait3A_263 = arith.constant 0 : i32
      %dma_wait3A_264 = tpu.memref_slice %arg8[%dma_wait3A_261, %dma_wait3A_262, %dma_wait3A_263] : memref<3x200x64xf32, #tpu.memory_space<vmem>> -> memref<1x200x64xf32, #tpu.memory_space<vmem>>
      %dma_wait3A_265 = tpu.memref_squeeze %dma_wait3A_264 : memref<1x200x64xf32, #tpu.memory_space<vmem>> -> memref<200x64xf32, #tpu.memory_space<vmem>>
      %dma_wait3A_266 = arith.constant 0 : i32
      %dma_wait3A_267 = tpu.memref_slice %arg7[%dma_wait3A_266] : memref<20000xi32, #tpu.memory_space<vmem>> -> memref<200xi32, #tpu.memory_space<vmem>>
      %dma_wait3A_268 = arith.constant 0 : i32
      %dma_wait3A_269 = arith.constant 0 : i32
      %dma_wait3A_270 = tpu.memref_slice %arg9[%dma_wait3A_268, %dma_wait3A_269] : memref<10240x64xf32, #tpu.memory_space<vmem_shared>> -> memref<10240x64xf32, #tpu.memory_space<vmem_shared>>
      tpu.wait_indirect_dma semaphore(%arg11 : memref<!tpu.dma_semaphore, #tpu.memory_space<semaphore_mem>>) src(%dma_wait3A_265 : memref<200x64xf32, #tpu.memory_space<vmem>>) dst(%dma_wait3A_270 : memref<10240x64xf32, #tpu.memory_space<vmem_shared>>)
      %add3A_271 = arith.constant 3 : i32
      %add3A_272 = arith.addi %mul3A_119, %add3A_271 : i32
      %add3A_273 = arith.constant 2 : i32
      %add3A_274 = arith.addi %add3A_272, %add3A_273 : i32
      %min3A_275 = arith.constant 99 : i32
      %min3A_276 = arith.minsi %add3A_274, %min3A_275 : i32
      %mul3A_277 = arith.constant 200 : i32
      %mul3A_278 = arith.muli %min3A_276, %mul3A_277 : i32
      %dma_start3A_279 = arith.constant 2 : i32
      %dma_start3A_280 = arith.constant 0 : i32
      %dma_start3A_281 = arith.constant 0 : i32
      %dma_start3A_282 = tpu.memref_slice %arg8[%dma_start3A_279, %dma_start3A_280, %dma_start3A_281] : memref<3x200x64xf32, #tpu.memory_space<vmem>> -> memref<1x200x64xf32, #tpu.memory_space<vmem>>
      %dma_start3A_283 = tpu.memref_squeeze %dma_start3A_282 : memref<1x200x64xf32, #tpu.memory_space<vmem>> -> memref<200x64xf32, #tpu.memory_space<vmem>>
      %dma_start3A_284 = tpu.memref_slice %arg6[%mul3A_278] : memref<20000xi32, #tpu.memory_space<vmem>> -> memref<200xi32, #tpu.memory_space<vmem>>
      %dma_start3A_285 = arith.constant 0 : i32
      %dma_start3A_286 = arith.constant 0 : i32
      %dma_start3A_287 = tpu.memref_slice %arg2[%arg0, %dma_start3A_285, %dma_start3A_286] : memref<2x10240x64xf32, #tpu.memory_space<hbm>> -> memref<1x10240x64xf32, #tpu.memory_space<hbm>>
      %dma_start3A_288 = tpu.memref_squeeze %dma_start3A_287 : memref<1x10240x64xf32, #tpu.memory_space<hbm>> -> memref<10240x64xf32, #tpu.memory_space<hbm>>
      %dma_start3A_289 = arith.constant 0 : i32
      %dma_start3A_290 = arith.constant 0 : i32
      %dma_start3A_291 = tpu.memref_slice %dma_start3A_288[%dma_start3A_289, %dma_start3A_290] : memref<10240x64xf32, #tpu.memory_space<hbm>> -> memref<10240x64xf32, #tpu.memory_space<hbm>>
      tpu.enqueue_indirect_dma source(%dma_start3A_291 : memref<10240x64xf32, #tpu.memory_space<hbm>>) target(%dma_start3A_283 : memref<200x64xf32, #tpu.memory_space<vmem>>) offsets(%dma_start3A_284 : memref<200xi32, #tpu.memory_space<vmem>>) semaphore(%arg10 : memref<!tpu.dma_semaphore, #tpu.memory_space<semaphore_mem>>)
      %scan3A_292 = arith.constant 0 : i32
      scf.yield %scan3A_292 : i32
    }
    %scan3A_49 = arith.constant 33 : i32
    %dma_wait3A = arith.constant 0 : i32
    %dma_wait3A_50 = arith.constant 0 : i32
    %dma_wait3A_51 = arith.constant 0 : i32
    %dma_wait3A_52 = tpu.memref_slice %arg8[%dma_wait3A, %dma_wait3A_50, %dma_wait3A_51] : memref<3x200x64xf32, #tpu.memory_space<vmem>> -> memref<1x200x64xf32, #tpu.memory_space<vmem>>
    %dma_wait3A_53 = tpu.memref_squeeze %dma_wait3A_52 : memref<1x200x64xf32, #tpu.memory_space<vmem>> -> memref<200x64xf32, #tpu.memory_space<vmem>>
    %dma_wait3A_54 = arith.constant 0 : i32
    %dma_wait3A_55 = tpu.memref_slice %arg6[%dma_wait3A_54] : memref<20000xi32, #tpu.memory_space<vmem>> -> memref<200xi32, #tpu.memory_space<vmem>>
    %dma_wait3A_56 = arith.constant 0 : i32
    %dma_wait3A_57 = arith.constant 0 : i32
    %dma_wait3A_58 = tpu.memref_slice %arg2[%arg0, %dma_wait3A_56, %dma_wait3A_57] : memref<2x10240x64xf32, #tpu.memory_space<hbm>> -> memref<1x10240x64xf32, #tpu.memory_space<hbm>>
    %dma_wait3A_59 = tpu.memref_squeeze %dma_wait3A_58 : memref<1x10240x64xf32, #tpu.memory_space<hbm>> -> memref<10240x64xf32, #tpu.memory_space<hbm>>
    %dma_wait3A_60 = arith.constant 0 : i32
    %dma_wait3A_61 = arith.constant 0 : i32
    %dma_wait3A_62 = tpu.memref_slice %dma_wait3A_59[%dma_wait3A_60, %dma_wait3A_61] : memref<10240x64xf32, #tpu.memory_space<hbm>> -> memref<10240x64xf32, #tpu.memory_space<hbm>>
    tpu.wait_indirect_dma semaphore(%arg10 : memref<!tpu.dma_semaphore, #tpu.memory_space<semaphore_mem>>) src(%dma_wait3A_62 : memref<10240x64xf32, #tpu.memory_space<hbm>>) dst(%dma_wait3A_53 : memref<200x64xf32, #tpu.memory_space<vmem>>)
    %dma_start3A_63 = arith.constant 0 : i32
    %dma_start3A_64 = arith.constant 0 : i32
    %dma_start3A_65 = arith.constant 0 : i32
    %dma_start3A_66 = tpu.memref_slice %arg8[%dma_start3A_63, %dma_start3A_64, %dma_start3A_65] : memref<3x200x64xf32, #tpu.memory_space<vmem>> -> memref<1x200x64xf32, #tpu.memory_space<vmem>>
    %dma_start3A_67 = tpu.memref_squeeze %dma_start3A_66 : memref<1x200x64xf32, #tpu.memory_space<vmem>> -> memref<200x64xf32, #tpu.memory_space<vmem>>
    %dma_start3A_68 = arith.constant 19800 : i32
    %dma_start3A_69 = tpu.memref_slice %arg7[%dma_start3A_68] : memref<20000xi32, #tpu.memory_space<vmem>> -> memref<200xi32, #tpu.memory_space<vmem>>
    %dma_start3A_70 = arith.constant 0 : i32
    %dma_start3A_71 = arith.constant 0 : i32
    %dma_start3A_72 = tpu.memref_slice %arg9[%dma_start3A_70, %dma_start3A_71] : memref<10240x64xf32, #tpu.memory_space<vmem_shared>> -> memref<10240x64xf32, #tpu.memory_space<vmem_shared>>
    tpu.enqueue_indirect_dma source(%dma_start3A_67 : memref<200x64xf32, #tpu.memory_space<vmem>>) target(%dma_start3A_72 : memref<10240x64xf32, #tpu.memory_space<vmem_shared>>) offsets(%dma_start3A_69 : memref<200xi32, #tpu.memory_space<vmem>>) semaphore(%arg11 : memref<!tpu.dma_semaphore, #tpu.memory_space<semaphore_mem>>) {add = true}
    %dma_wait3A_73 = arith.constant 1 : i32
    %dma_wait3A_74 = arith.constant 0 : i32
    %dma_wait3A_75 = arith.constant 0 : i32
    %dma_wait3A_76 = tpu.memref_slice %arg8[%dma_wait3A_73, %dma_wait3A_74, %dma_wait3A_75] : memref<3x200x64xf32, #tpu.memory_space<vmem>> -> memref<1x200x64xf32, #tpu.memory_space<vmem>>
    %dma_wait3A_77 = tpu.memref_squeeze %dma_wait3A_76 : memref<1x200x64xf32, #tpu.memory_space<vmem>> -> memref<200x64xf32, #tpu.memory_space<vmem>>
    %dma_wait3A_78 = arith.constant 0 : i32
    %dma_wait3A_79 = tpu.memref_slice %arg6[%dma_wait3A_78] : memref<20000xi32, #tpu.memory_space<vmem>> -> memref<200xi32, #tpu.memory_space<vmem>>
    %dma_wait3A_80 = arith.constant 0 : i32
    %dma_wait3A_81 = arith.constant 0 : i32
    %dma_wait3A_82 = tpu.memref_slice %arg2[%arg0, %dma_wait3A_80, %dma_wait3A_81] : memref<2x10240x64xf32, #tpu.memory_space<hbm>> -> memref<1x10240x64xf32, #tpu.memory_space<hbm>>
    %dma_wait3A_83 = tpu.memref_squeeze %dma_wait3A_82 : memref<1x10240x64xf32, #tpu.memory_space<hbm>> -> memref<10240x64xf32, #tpu.memory_space<hbm>>
    %dma_wait3A_84 = arith.constant 0 : i32
    %dma_wait3A_85 = arith.constant 0 : i32
    %dma_wait3A_86 = tpu.memref_slice %dma_wait3A_83[%dma_wait3A_84, %dma_wait3A_85] : memref<10240x64xf32, #tpu.memory_space<hbm>> -> memref<10240x64xf32, #tpu.memory_space<hbm>>
    tpu.wait_indirect_dma semaphore(%arg10 : memref<!tpu.dma_semaphore, #tpu.memory_space<semaphore_mem>>) src(%dma_wait3A_86 : memref<10240x64xf32, #tpu.memory_space<hbm>>) dst(%dma_wait3A_77 : memref<200x64xf32, #tpu.memory_space<vmem>>)
    %dma_wait3A_87 = arith.constant 2 : i32
    %dma_wait3A_88 = arith.constant 0 : i32
    %dma_wait3A_89 = arith.constant 0 : i32
    %dma_wait3A_90 = tpu.memref_slice %arg8[%dma_wait3A_87, %dma_wait3A_88, %dma_wait3A_89] : memref<3x200x64xf32, #tpu.memory_space<vmem>> -> memref<1x200x64xf32, #tpu.memory_space<vmem>>
    %dma_wait3A_91 = tpu.memref_squeeze %dma_wait3A_90 : memref<1x200x64xf32, #tpu.memory_space<vmem>> -> memref<200x64xf32, #tpu.memory_space<vmem>>
    %dma_wait3A_92 = arith.constant 0 : i32
    %dma_wait3A_93 = tpu.memref_slice %arg6[%dma_wait3A_92] : memref<20000xi32, #tpu.memory_space<vmem>> -> memref<200xi32, #tpu.memory_space<vmem>>
    %dma_wait3A_94 = arith.constant 0 : i32
    %dma_wait3A_95 = arith.constant 0 : i32
    %dma_wait3A_96 = tpu.memref_slice %arg2[%arg0, %dma_wait3A_94, %dma_wait3A_95] : memref<2x10240x64xf32, #tpu.memory_space<hbm>> -> memref<1x10240x64xf32, #tpu.memory_space<hbm>>
    %dma_wait3A_97 = tpu.memref_squeeze %dma_wait3A_96 : memref<1x10240x64xf32, #tpu.memory_space<hbm>> -> memref<10240x64xf32, #tpu.memory_space<hbm>>
    %dma_wait3A_98 = arith.constant 0 : i32
    %dma_wait3A_99 = arith.constant 0 : i32
    %dma_wait3A_100 = tpu.memref_slice %dma_wait3A_97[%dma_wait3A_98, %dma_wait3A_99] : memref<10240x64xf32, #tpu.memory_space<hbm>> -> memref<10240x64xf32, #tpu.memory_space<hbm>>
    tpu.wait_indirect_dma semaphore(%arg10 : memref<!tpu.dma_semaphore, #tpu.memory_space<semaphore_mem>>) src(%dma_wait3A_100 : memref<10240x64xf32, #tpu.memory_space<hbm>>) dst(%dma_wait3A_91 : memref<200x64xf32, #tpu.memory_space<vmem>>)
    %dma_wait3A_101 = arith.constant 0 : i32
    %dma_wait3A_102 = arith.constant 0 : i32
    %dma_wait3A_103 = arith.constant 0 : i32
    %dma_wait3A_104 = tpu.memref_slice %arg8[%dma_wait3A_101, %dma_wait3A_102, %dma_wait3A_103] : memref<3x200x64xf32, #tpu.memory_space<vmem>> -> memref<1x200x64xf32, #tpu.memory_space<vmem>>
    %dma_wait3A_105 = tpu.memref_squeeze %dma_wait3A_104 : memref<1x200x64xf32, #tpu.memory_space<vmem>> -> memref<200x64xf32, #tpu.memory_space<vmem>>
    %dma_wait3A_106 = arith.constant 0 : i32
    %dma_wait3A_107 = tpu.memref_slice %arg7[%dma_wait3A_106] : memref<20000xi32, #tpu.memory_space<vmem>> -> memref<200xi32, #tpu.memory_space<vmem>>
    %dma_wait3A_108 = arith.constant 0 : i32
    %dma_wait3A_109 = arith.constant 0 : i32
    %dma_wait3A_110 = tpu.memref_slice %arg9[%dma_wait3A_108, %dma_wait3A_109] : memref<10240x64xf32, #tpu.memory_space<vmem_shared>> -> memref<10240x64xf32, #tpu.memory_space<vmem_shared>>
    tpu.wait_indirect_dma semaphore(%arg11 : memref<!tpu.dma_semaphore, #tpu.memory_space<semaphore_mem>>) src(%dma_wait3A_105 : memref<200x64xf32, #tpu.memory_space<vmem>>) dst(%dma_wait3A_110 : memref<10240x64xf32, #tpu.memory_space<vmem_shared>>)
    %barrier3A_111 = arith.constant 0 : index
    tpu.barrier barrier_id(%barrier3A_111)
    %mul3A_112 = arith.constant 640 : i32
    %mul3A_113 = arith.muli %arg1, %mul3A_112 : i32
    %mul3A_114 = arith.constant 640 : i32
    %mul3A_115 = arith.muli %arg1, %mul3A_114 : i32
    "tpu.region"() ({
      %run_scoped3A = tpu.sem_alloc : memref<!tpu.dma_semaphore, #tpu.memory_space<semaphore_mem>>
      %dma_start3A_116 = arith.constant 0 : i32
      %dma_start3A_117 = tpu.memref_slice %arg5[%arg0, %mul3A_115, %dma_start3A_116] : memref<2x10240x64xf32, #tpu.memory_space<hbm>> -> memref<1x640x64xf32, #tpu.memory_space<hbm>>
      %dma_start3A_118 = tpu.memref_squeeze %dma_start3A_117 : memref<1x640x64xf32, #tpu.memory_space<hbm>> -> memref<640x64xf32, #tpu.memory_space<hbm>>
      %dma_start3A_119 = arith.constant 0 : i32
      %dma_start3A_120 = tpu.memref_slice %arg9[%mul3A_113, %dma_start3A_119] : memref<10240x64xf32, #tpu.memory_space<vmem_shared>> -> memref<640x64xf32, #tpu.memory_space<vmem_shared>>
      tpu.enqueue_dma source(%dma_start3A_120 : memref<640x64xf32, #tpu.memory_space<vmem_shared>>) target(%dma_start3A_118 : memref<640x64xf32, #tpu.memory_space<hbm>>) target_semaphore(%run_scoped3A : memref<!tpu.dma_semaphore, #tpu.memory_space<semaphore_mem>>)
      %dma_wait3A_121 = arith.constant 0 : i32
      %dma_wait3A_122 = tpu.memref_slice %arg5[%arg0, %mul3A_115, %dma_wait3A_121] : memref<2x10240x64xf32, #tpu.memory_space<hbm>> -> memref<1x640x64xf32, #tpu.memory_space<hbm>>
      %dma_wait3A_123 = tpu.memref_squeeze %dma_wait3A_122 : memref<1x640x64xf32, #tpu.memory_space<hbm>> -> memref<640x64xf32, #tpu.memory_space<hbm>>
      %dma_wait3A_124 = arith.constant 0 : i32
      %dma_wait3A_125 = tpu.memref_slice %arg9[%mul3A_113, %dma_wait3A_124] : memref<10240x64xf32, #tpu.memory_space<vmem_shared>> -> memref<640x64xf32, #tpu.memory_space<vmem_shared>>
      tpu.wait_dma2 semaphore(%run_scoped3A : memref<!tpu.dma_semaphore, #tpu.memory_space<semaphore_mem>>) src(%dma_wait3A_125 : memref<640x64xf32, #tpu.memory_space<vmem_shared>>) dst(%dma_wait3A_123 : memref<640x64xf32, #tpu.memory_space<hbm>>)
      tpu.yield
    }) : () -> ()
    return
  }
}

#map = affine_map<(d0, d1) -> (0, 0, 0)>
#map1 = affine_map<(d0, d1) -> (0, 0)>
module attributes {stable_mosaic.version = 14 : i64} {
  func.func @_scatter_kernel(%arg0: i32, %arg1: i32, %arg2: memref<2x10240x64xf32, #tpu.memory_space<hbm>>, %arg3: memref<16x20000xi32, #tpu.memory_space<hbm>>, %arg4: memref<16x20000xi32, #tpu.memory_space<hbm>>, %arg5: memref<2x10240x64xf32, #tpu.memory_space<hbm>>, %arg6: memref<20000xi32, #tpu.memory_space<vmem>>, %arg7: memref<20000xi32, #tpu.memory_space<vmem>>, %arg8: memref<3x200x64xf32, #tpu.memory_space<vmem>>, %arg9: memref<10240x64xf32, #tpu.memory_space<vmem_shared>>, %arg10: memref<!tpu.dma_semaphore, #tpu.memory_space<semaphore_mem>>, %arg11: memref<!tpu.dma_semaphore, #tpu.memory_space<semaphore_mem>>) attributes {dimension_semantics = [#tpu.dimension_semantics<core_parallel>, #tpu.dimension_semantics<subcore_parallel>], iteration_bounds = array<i64: 2, 16>, scalar_prefetch = 0 : i64, scratch_operands = 6 : i64, tpu.core_type = #tpu.core_type<sc_vector_subcore>, window_params = [{transform_indices = #map}, {transform_indices = #map1}, {transform_indices = #map1}, {transform_indices = #map}]} {
    %mul3A = arith.constant 640 : i32
    %mul3A_0 = arith.muli %arg1, %mul3A : i32
    %mul3A_1 = arith.constant 640 : i32
    %mul3A_2 = arith.muli %arg1, %mul3A_1 : i32
    "tpu.region"() ({
      %run_scoped3A = tpu.sem_alloc : memref<!tpu.dma_semaphore, #tpu.memory_space<semaphore_mem>>
      %dma_start3A_116 = arith.constant 0 : i32
      %dma_start3A_117 = tpu.memref_slice %arg9[%mul3A_2, %dma_start3A_116] : memref<10240x64xf32, #tpu.memory_space<vmem_shared>> -> memref<640x64xf32, #tpu.memory_space<vmem_shared>>
      %dma_start3A_118 = arith.constant 0 : i32
      %dma_start3A_119 = tpu.memref_slice %arg2[%arg0, %mul3A_0, %dma_start3A_118] : memref<2x10240x64xf32, #tpu.memory_space<hbm>> -> memref<1x640x64xf32, #tpu.memory_space<hbm>>
      %dma_start3A_120 = tpu.memref_squeeze %dma_start3A_119 : memref<1x640x64xf32, #tpu.memory_space<hbm>> -> memref<640x64xf32, #tpu.memory_space<hbm>>
      tpu.enqueue_dma source(%dma_start3A_120 : memref<640x64xf32, #tpu.memory_space<hbm>>) target(%dma_start3A_117 : memref<640x64xf32, #tpu.memory_space<vmem_shared>>) target_semaphore(%run_scoped3A : memref<!tpu.dma_semaphore, #tpu.memory_space<semaphore_mem>>)
      %dma_wait3A_121 = arith.constant 0 : i32
      %dma_wait3A_122 = tpu.memref_slice %arg9[%mul3A_2, %dma_wait3A_121] : memref<10240x64xf32, #tpu.memory_space<vmem_shared>> -> memref<640x64xf32, #tpu.memory_space<vmem_shared>>
      %dma_wait3A_123 = arith.constant 0 : i32
      %dma_wait3A_124 = tpu.memref_slice %arg2[%arg0, %mul3A_0, %dma_wait3A_123] : memref<2x10240x64xf32, #tpu.memory_space<hbm>> -> memref<1x640x64xf32, #tpu.memory_space<hbm>>
      %dma_wait3A_125 = tpu.memref_squeeze %dma_wait3A_124 : memref<1x640x64xf32, #tpu.memory_space<hbm>> -> memref<640x64xf32, #tpu.memory_space<hbm>>
      tpu.wait_dma2 semaphore(%run_scoped3A : memref<!tpu.dma_semaphore, #tpu.memory_space<semaphore_mem>>) src(%dma_wait3A_125 : memref<640x64xf32, #tpu.memory_space<hbm>>) dst(%dma_wait3A_122 : memref<640x64xf32, #tpu.memory_space<vmem_shared>>)
      tpu.yield
    }) : () -> ()
    %barrier3A = arith.constant 0 : index
    tpu.barrier barrier_id(%barrier3A)
    "tpu.region"() ({
      %run_scoped3A = tpu.sem_alloc : memref<!tpu.dma_semaphore, #tpu.memory_space<semaphore_mem>>
      %dma_start3A_116 = arith.constant 0 : i32
      %dma_start3A_117 = tpu.memref_slice %arg3[%arg1, %dma_start3A_116] : memref<16x20000xi32, #tpu.memory_space<hbm>> -> memref<1x20000xi32, #tpu.memory_space<hbm>>
      %dma_start3A_118 = tpu.memref_squeeze %dma_start3A_117 : memref<1x20000xi32, #tpu.memory_space<hbm>> -> memref<20000xi32, #tpu.memory_space<hbm>>
      %dma_start3A_119 = arith.constant 0 : i32
      %dma_start3A_120 = tpu.memref_slice %arg3[%arg1, %dma_start3A_119] : memref<16x20000xi32, #tpu.memory_space<hbm>> -> memref<1x20000xi32, #tpu.memory_space<hbm>>
      %dma_start3A_121 = tpu.memref_squeeze %dma_start3A_120 : memref<1x20000xi32, #tpu.memory_space<hbm>> -> memref<20000xi32, #tpu.memory_space<hbm>>
      tpu.enqueue_dma source(%dma_start3A_121 : memref<20000xi32, #tpu.memory_space<hbm>>) target(%arg6 : memref<20000xi32, #tpu.memory_space<vmem>>) target_semaphore(%run_scoped3A : memref<!tpu.dma_semaphore, #tpu.memory_space<semaphore_mem>>)
      %dma_wait3A_122 = arith.constant 0 : i32
      %dma_wait3A_123 = tpu.memref_slice %arg3[%arg1, %dma_wait3A_122] : memref<16x20000xi32, #tpu.memory_space<hbm>> -> memref<1x20000xi32, #tpu.memory_space<hbm>>
      %dma_wait3A_124 = tpu.memref_squeeze %dma_wait3A_123 : memref<1x20000xi32, #tpu.memory_space<hbm>> -> memref<20000xi32, #tpu.memory_space<hbm>>
      %dma_wait3A_125 = arith.constant 0 : i32
      %dma_wait3A_126 = tpu.memref_slice %arg3[%arg1, %dma_wait3A_125] : memref<16x20000xi32, #tpu.memory_space<hbm>> -> memref<1x20000xi32, #tpu.memory_space<hbm>>
      %dma_wait3A_127 = tpu.memref_squeeze %dma_wait3A_126 : memref<1x20000xi32, #tpu.memory_space<hbm>> -> memref<20000xi32, #tpu.memory_space<hbm>>
      tpu.wait_dma2 semaphore(%run_scoped3A : memref<!tpu.dma_semaphore, #tpu.memory_space<semaphore_mem>>) src(%dma_wait3A_127 : memref<20000xi32, #tpu.memory_space<hbm>>) dst(%arg6 : memref<20000xi32, #tpu.memory_space<vmem>>)
      tpu.yield
    }) : () -> ()
    "tpu.region"() ({
      %run_scoped3A = tpu.sem_alloc : memref<!tpu.dma_semaphore, #tpu.memory_space<semaphore_mem>>
      %dma_start3A_116 = arith.constant 0 : i32
      %dma_start3A_117 = tpu.memref_slice %arg4[%arg1, %dma_start3A_116] : memref<16x20000xi32, #tpu.memory_space<hbm>> -> memref<1x20000xi32, #tpu.memory_space<hbm>>
      %dma_start3A_118 = tpu.memref_squeeze %dma_start3A_117 : memref<1x20000xi32, #tpu.memory_space<hbm>> -> memref<20000xi32, #tpu.memory_space<hbm>>
      %dma_start3A_119 = arith.constant 0 : i32
      %dma_start3A_120 = tpu.memref_slice %arg4[%arg1, %dma_start3A_119] : memref<16x20000xi32, #tpu.memory_space<hbm>> -> memref<1x20000xi32, #tpu.memory_space<hbm>>
      %dma_start3A_121 = tpu.memref_squeeze %dma_start3A_120 : memref<1x20000xi32, #tpu.memory_space<hbm>> -> memref<20000xi32, #tpu.memory_space<hbm>>
      tpu.enqueue_dma source(%dma_start3A_121 : memref<20000xi32, #tpu.memory_space<hbm>>) target(%arg7 : memref<20000xi32, #tpu.memory_space<vmem>>) target_semaphore(%run_scoped3A : memref<!tpu.dma_semaphore, #tpu.memory_space<semaphore_mem>>)
      %dma_wait3A_122 = arith.constant 0 : i32
      %dma_wait3A_123 = tpu.memref_slice %arg4[%arg1, %dma_wait3A_122] : memref<16x20000xi32, #tpu.memory_space<hbm>> -> memref<1x20000xi32, #tpu.memory_space<hbm>>
      %dma_wait3A_124 = tpu.memref_squeeze %dma_wait3A_123 : memref<1x20000xi32, #tpu.memory_space<hbm>> -> memref<20000xi32, #tpu.memory_space<hbm>>
      %dma_wait3A_125 = arith.constant 0 : i32
      %dma_wait3A_126 = tpu.memref_slice %arg4[%arg1, %dma_wait3A_125] : memref<16x20000xi32, #tpu.memory_space<hbm>> -> memref<1x20000xi32, #tpu.memory_space<hbm>>
      %dma_wait3A_127 = tpu.memref_squeeze %dma_wait3A_126 : memref<1x20000xi32, #tpu.memory_space<hbm>> -> memref<20000xi32, #tpu.memory_space<hbm>>
      tpu.wait_dma2 semaphore(%run_scoped3A : memref<!tpu.dma_semaphore, #tpu.memory_space<semaphore_mem>>) src(%dma_wait3A_127 : memref<20000xi32, #tpu.memory_space<hbm>>) dst(%arg7 : memref<20000xi32, #tpu.memory_space<vmem>>)
      tpu.yield
    }) : () -> ()
    %dma_start3A = arith.constant 0 : i32
    %dma_start3A_3 = arith.constant 0 : i32
    %dma_start3A_4 = arith.constant 0 : i32
    %dma_start3A_5 = tpu.memref_slice %arg8[%dma_start3A, %dma_start3A_3, %dma_start3A_4] : memref<3x200x64xf32, #tpu.memory_space<vmem>> -> memref<1x200x64xf32, #tpu.memory_space<vmem>>
    %dma_start3A_6 = tpu.memref_squeeze %dma_start3A_5 : memref<1x200x64xf32, #tpu.memory_space<vmem>> -> memref<200x64xf32, #tpu.memory_space<vmem>>
    %dma_start3A_7 = arith.constant 0 : i32
    %dma_start3A_8 = tpu.memref_slice %arg6[%dma_start3A_7] : memref<20000xi32, #tpu.memory_space<vmem>> -> memref<200xi32, #tpu.memory_space<vmem>>
    %dma_start3A_9 = arith.constant 0 : i32
    %dma_start3A_10 = arith.constant 0 : i32
    %dma_start3A_11 = tpu.memref_slice %arg2[%arg0, %dma_start3A_9, %dma_start3A_10] : memref<2x10240x64xf32, #tpu.memory_space<hbm>> -> memref<1x10240x64xf32, #tpu.memory_space<hbm>>
    %dma_start3A_12 = tpu.memref_squeeze %dma_start3A_11 : memref<1x10240x64xf32, #tpu.memory_space<hbm>> -> memref<10240x64xf32, #tpu.memory_space<hbm>>
    %dma_start3A_13 = arith.constant 0 : i32
    %dma_start3A_14 = arith.constant 0 : i32
    %dma_start3A_15 = tpu.memref_slice %dma_start3A_12[%dma_start3A_13, %dma_start3A_14] : memref<10240x64xf32, #tpu.memory_space<hbm>> -> memref<10240x64xf32, #tpu.memory_space<hbm>>
    tpu.enqueue_indirect_dma source(%dma_start3A_15 : memref<10240x64xf32, #tpu.memory_space<hbm>>) target(%dma_start3A_6 : memref<200x64xf32, #tpu.memory_space<vmem>>) offsets(%dma_start3A_8 : memref<200xi32, #tpu.memory_space<vmem>>) semaphore(%arg10 : memref<!tpu.dma_semaphore, #tpu.memory_space<semaphore_mem>>)
    %dma_start3A_16 = arith.constant 1 : i32
    %dma_start3A_17 = arith.constant 0 : i32
    %dma_start3A_18 = arith.constant 0 : i32
    %dma_start3A_19 = tpu.memref_slice %arg8[%dma_start3A_16, %dma_start3A_17, %dma_start3A_18] : memref<3x200x64xf32, #tpu.memory_space<vmem>> -> memref<1x200x64xf32, #tpu.memory_space<vmem>>
    %dma_start3A_20 = tpu.memref_squeeze %dma_start3A_19 : memref<1x200x64xf32, #tpu.memory_space<vmem>> -> memref<200x64xf32, #tpu.memory_space<vmem>>
    %dma_start3A_21 = arith.constant 200 : i32
    %dma_start3A_22 = tpu.memref_slice %arg6[%dma_start3A_21] : memref<20000xi32, #tpu.memory_space<vmem>> -> memref<200xi32, #tpu.memory_space<vmem>>
    %dma_start3A_23 = arith.constant 0 : i32
    %dma_start3A_24 = arith.constant 0 : i32
    %dma_start3A_25 = tpu.memref_slice %arg2[%arg0, %dma_start3A_23, %dma_start3A_24] : memref<2x10240x64xf32, #tpu.memory_space<hbm>> -> memref<1x10240x64xf32, #tpu.memory_space<hbm>>
    %dma_start3A_26 = tpu.memref_squeeze %dma_start3A_25 : memref<1x10240x64xf32, #tpu.memory_space<hbm>> -> memref<10240x64xf32, #tpu.memory_space<hbm>>
    %dma_start3A_27 = arith.constant 0 : i32
    %dma_start3A_28 = arith.constant 0 : i32
    %dma_start3A_29 = tpu.memref_slice %dma_start3A_26[%dma_start3A_27, %dma_start3A_28] : memref<10240x64xf32, #tpu.memory_space<hbm>> -> memref<10240x64xf32, #tpu.memory_space<hbm>>
    tpu.enqueue_indirect_dma source(%dma_start3A_29 : memref<10240x64xf32, #tpu.memory_space<hbm>>) target(%dma_start3A_20 : memref<200x64xf32, #tpu.memory_space<vmem>>) offsets(%dma_start3A_22 : memref<200xi32, #tpu.memory_space<vmem>>) semaphore(%arg10 : memref<!tpu.dma_semaphore, #tpu.memory_space<semaphore_mem>>)
    %dma_start3A_30 = arith.constant 2 : i32
    %dma_start3A_31 = arith.constant 0 : i32
    %dma_start3A_32 = arith.constant 0 : i32
    %dma_start3A_33 = tpu.memref_slice %arg8[%dma_start3A_30, %dma_start3A_31, %dma_start3A_32] : memref<3x200x64xf32, #tpu.memory_space<vmem>> -> memref<1x200x64xf32, #tpu.memory_space<vmem>>
    %dma_start3A_34 = tpu.memref_squeeze %dma_start3A_33 : memref<1x200x64xf32, #tpu.memory_space<vmem>> -> memref<200x64xf32, #tpu.memory_space<vmem>>
    %dma_start3A_35 = arith.constant 400 : i32
    %dma_start3A_36 = tpu.memref_slice %arg6[%dma_start3A_35] : memref<20000xi32, #tpu.memory_space<vmem>> -> memref<200xi32, #tpu.memory_space<vmem>>
    %dma_start3A_37 = arith.constant 0 : i32
    %dma_start3A_38 = arith.constant 0 : i32
    %dma_start3A_39 = tpu.memref_slice %arg2[%arg0, %dma_start3A_37, %dma_start3A_38] : memref<2x10240x64xf32, #tpu.memory_space<hbm>> -> memref<1x10240x64xf32, #tpu.memory_space<hbm>>
    %dma_start3A_40 = tpu.memref_squeeze %dma_start3A_39 : memref<1x10240x64xf32, #tpu.memory_space<hbm>> -> memref<10240x64xf32, #tpu.memory_space<hbm>>
    %dma_start3A_41 = arith.constant 0 : i32
    %dma_start3A_42 = arith.constant 0 : i32
    %dma_start3A_43 = tpu.memref_slice %dma_start3A_40[%dma_start3A_41, %dma_start3A_42] : memref<10240x64xf32, #tpu.memory_space<hbm>> -> memref<10240x64xf32, #tpu.memory_space<hbm>>
    tpu.enqueue_indirect_dma source(%dma_start3A_43 : memref<10240x64xf32, #tpu.memory_space<hbm>>) target(%dma_start3A_34 : memref<200x64xf32, #tpu.memory_space<vmem>>) offsets(%dma_start3A_36 : memref<200xi32, #tpu.memory_space<vmem>>) semaphore(%arg10 : memref<!tpu.dma_semaphore, #tpu.memory_space<semaphore_mem>>)
    %scan3A = arith.constant 0 : i32
    %scan3A_44 = arith.constant 0 : i32
    %scan3A_45 = arith.constant 33 : i32
    %scan3A_46 = arith.addi %scan3A_44, %scan3A_45 : i32
    %scan3A_47 = arith.constant 1 : i32
    %scan3A_48 = scf.for %scan3A_116 = %scan3A_44 to %scan3A_46 step %scan3A_47 iter_args(%scan3A_117 = %scan3A) -> (i32)  : i32 {
      %mul3A_118 = arith.constant 3 : i32
      %mul3A_119 = arith.muli %mul3A_118, %scan3A_116 : i32
      %dma_wait3A_120 = arith.constant 0 : i32
      %dma_wait3A_121 = arith.constant 0 : i32
      %dma_wait3A_122 = arith.constant 0 : i32
      %dma_wait3A_123 = tpu.memref_slice %arg8[%dma_wait3A_120, %dma_wait3A_121, %dma_wait3A_122] : memref<3x200x64xf32, #tpu.memory_space<vmem>> -> memref<1x200x64xf32, #tpu.memory_space<vmem>>
      %dma_wait3A_124 = tpu.memref_squeeze %dma_wait3A_123 : memref<1x200x64xf32, #tpu.memory_space<vmem>> -> memref<200x64xf32, #tpu.memory_space<vmem>>
      %dma_wait3A_125 = arith.constant 0 : i32
      %dma_wait3A_126 = tpu.memref_slice %arg6[%dma_wait3A_125] : memref<20000xi32, #tpu.memory_space<vmem>> -> memref<200xi32, #tpu.memory_space<vmem>>
      %dma_wait3A_127 = arith.constant 0 : i32
      %dma_wait3A_128 = arith.constant 0 : i32
      %dma_wait3A_129 = tpu.memref_slice %arg2[%arg0, %dma_wait3A_127, %dma_wait3A_128] : memref<2x10240x64xf32, #tpu.memory_space<hbm>> -> memref<1x10240x64xf32, #tpu.memory_space<hbm>>
      %dma_wait3A_130 = tpu.memref_squeeze %dma_wait3A_129 : memref<1x10240x64xf32, #tpu.memory_space<hbm>> -> memref<10240x64xf32, #tpu.memory_space<hbm>>
      %dma_wait3A_131 = arith.constant 0 : i32
      %dma_wait3A_132 = arith.constant 0 : i32
      %dma_wait3A_133 = tpu.memref_slice %dma_wait3A_130[%dma_wait3A_131, %dma_wait3A_132] : memref<10240x64xf32, #tpu.memory_space<hbm>> -> memref<10240x64xf32, #tpu.memory_space<hbm>>
      tpu.wait_indirect_dma semaphore(%arg10 : memref<!tpu.dma_semaphore, #tpu.memory_space<semaphore_mem>>) src(%dma_wait3A_133 : memref<10240x64xf32, #tpu.memory_space<hbm>>) dst(%dma_wait3A_124 : memref<200x64xf32, #tpu.memory_space<vmem>>)
      %add3A = arith.constant 0 : i32
      %add3A_134 = arith.addi %mul3A_119, %add3A : i32
      %mul3A_135 = arith.constant 200 : i32
      %mul3A_136 = arith.muli %add3A_134, %mul3A_135 : i32
      %dma_start3A_137 = arith.constant 0 : i32
      %dma_start3A_138 = arith.constant 0 : i32
      %dma_start3A_139 = arith.constant 0 : i32
      %dma_start3A_140 = tpu.memref_slice %arg8[%dma_start3A_137, %dma_start3A_138, %dma_start3A_139] : memref<3x200x64xf32, #tpu.memory_space<vmem>> -> memref<1x200x64xf32, #tpu.memory_space<vmem>>
      %dma_start3A_141 = tpu.memref_squeeze %dma_start3A_140 : memref<1x200x64xf32, #tpu.memory_space<vmem>> -> memref<200x64xf32, #tpu.memory_space<vmem>>
      %dma_start3A_142 = tpu.memref_slice %arg7[%mul3A_136] : memref<20000xi32, #tpu.memory_space<vmem>> -> memref<200xi32, #tpu.memory_space<vmem>>
      %dma_start3A_143 = arith.constant 0 : i32
      %dma_start3A_144 = arith.constant 0 : i32
      %dma_start3A_145 = tpu.memref_slice %arg9[%dma_start3A_143, %dma_start3A_144] : memref<10240x64xf32, #tpu.memory_space<vmem_shared>> -> memref<10240x64xf32, #tpu.memory_space<vmem_shared>>
      tpu.enqueue_indirect_dma source(%dma_start3A_141 : memref<200x64xf32, #tpu.memory_space<vmem>>) target(%dma_start3A_145 : memref<10240x64xf32, #tpu.memory_space<vmem_shared>>) offsets(%dma_start3A_142 : memref<200xi32, #tpu.memory_space<vmem>>) semaphore(%arg11 : memref<!tpu.dma_semaphore, #tpu.memory_space<semaphore_mem>>) {add = true}
      %dma_wait3A_146 = arith.constant 1 : i32
      %dma_wait3A_147 = arith.constant 0 : i32
      %dma_wait3A_148 = arith.constant 0 : i32
      %dma_wait3A_149 = tpu.memref_slice %arg8[%dma_wait3A_146, %dma_wait3A_147, %dma_wait3A_148] : memref<3x200x64xf32, #tpu.memory_space<vmem>> -> memref<1x200x64xf32, #tpu.memory_space<vmem>>
      %dma_wait3A_150 = tpu.memref_squeeze %dma_wait3A_149 : memref<1x200x64xf32, #tpu.memory_space<vmem>> -> memref<200x64xf32, #tpu.memory_space<vmem>>
      %dma_wait3A_151 = arith.constant 0 : i32
      %dma_wait3A_152 = tpu.memref_slice %arg6[%dma_wait3A_151] : memref<20000xi32, #tpu.memory_space<vmem>> -> memref<200xi32, #tpu.memory_space<vmem>>
      %dma_wait3A_153 = arith.constant 0 : i32
      %dma_wait3A_154 = arith.constant 0 : i32
      %dma_wait3A_155 = tpu.memref_slice %arg2[%arg0, %dma_wait3A_153, %dma_wait3A_154] : memref<2x10240x64xf32, #tpu.memory_space<hbm>> -> memref<1x10240x64xf32, #tpu.memory_space<hbm>>
      %dma_wait3A_156 = tpu.memref_squeeze %dma_wait3A_155 : memref<1x10240x64xf32, #tpu.memory_space<hbm>> -> memref<10240x64xf32, #tpu.memory_space<hbm>>
      %dma_wait3A_157 = arith.constant 0 : i32
      %dma_wait3A_158 = arith.constant 0 : i32
      %dma_wait3A_159 = tpu.memref_slice %dma_wait3A_156[%dma_wait3A_157, %dma_wait3A_158] : memref<10240x64xf32, #tpu.memory_space<hbm>> -> memref<10240x64xf32, #tpu.memory_space<hbm>>
      tpu.wait_indirect_dma semaphore(%arg10 : memref<!tpu.dma_semaphore, #tpu.memory_space<semaphore_mem>>) src(%dma_wait3A_159 : memref<10240x64xf32, #tpu.memory_space<hbm>>) dst(%dma_wait3A_150 : memref<200x64xf32, #tpu.memory_space<vmem>>)
      %add3A_160 = arith.constant 1 : i32
      %add3A_161 = arith.addi %mul3A_119, %add3A_160 : i32
      %mul3A_162 = arith.constant 200 : i32
      %mul3A_163 = arith.muli %add3A_161, %mul3A_162 : i32
      %dma_start3A_164 = arith.constant 1 : i32
      %dma_start3A_165 = arith.constant 0 : i32
      %dma_start3A_166 = arith.constant 0 : i32
      %dma_start3A_167 = tpu.memref_slice %arg8[%dma_start3A_164, %dma_start3A_165, %dma_start3A_166] : memref<3x200x64xf32, #tpu.memory_space<vmem>> -> memref<1x200x64xf32, #tpu.memory_space<vmem>>
      %dma_start3A_168 = tpu.memref_squeeze %dma_start3A_167 : memref<1x200x64xf32, #tpu.memory_space<vmem>> -> memref<200x64xf32, #tpu.memory_space<vmem>>
      %dma_start3A_169 = tpu.memref_slice %arg7[%mul3A_163] : memref<20000xi32, #tpu.memory_space<vmem>> -> memref<200xi32, #tpu.memory_space<vmem>>
      %dma_start3A_170 = arith.constant 0 : i32
      %dma_start3A_171 = arith.constant 0 : i32
      %dma_start3A_172 = tpu.memref_slice %arg9[%dma_start3A_170, %dma_start3A_171] : memref<10240x64xf32, #tpu.memory_space<vmem_shared>> -> memref<10240x64xf32, #tpu.memory_space<vmem_shared>>
      tpu.enqueue_indirect_dma source(%dma_start3A_168 : memref<200x64xf32, #tpu.memory_space<vmem>>) target(%dma_start3A_172 : memref<10240x64xf32, #tpu.memory_space<vmem_shared>>) offsets(%dma_start3A_169 : memref<200xi32, #tpu.memory_space<vmem>>) semaphore(%arg11 : memref<!tpu.dma_semaphore, #tpu.memory_space<semaphore_mem>>) {add = true}
      %dma_wait3A_173 = arith.constant 2 : i32
      %dma_wait3A_174 = arith.constant 0 : i32
      %dma_wait3A_175 = arith.constant 0 : i32
      %dma_wait3A_176 = tpu.memref_slice %arg8[%dma_wait3A_173, %dma_wait3A_174, %dma_wait3A_175] : memref<3x200x64xf32, #tpu.memory_space<vmem>> -> memref<1x200x64xf32, #tpu.memory_space<vmem>>
      %dma_wait3A_177 = tpu.memref_squeeze %dma_wait3A_176 : memref<1x200x64xf32, #tpu.memory_space<vmem>> -> memref<200x64xf32, #tpu.memory_space<vmem>>
      %dma_wait3A_178 = arith.constant 0 : i32
      %dma_wait3A_179 = tpu.memref_slice %arg6[%dma_wait3A_178] : memref<20000xi32, #tpu.memory_space<vmem>> -> memref<200xi32, #tpu.memory_space<vmem>>
      %dma_wait3A_180 = arith.constant 0 : i32
      %dma_wait3A_181 = arith.constant 0 : i32
      %dma_wait3A_182 = tpu.memref_slice %arg2[%arg0, %dma_wait3A_180, %dma_wait3A_181] : memref<2x10240x64xf32, #tpu.memory_space<hbm>> -> memref<1x10240x64xf32, #tpu.memory_space<hbm>>
      %dma_wait3A_183 = tpu.memref_squeeze %dma_wait3A_182 : memref<1x10240x64xf32, #tpu.memory_space<hbm>> -> memref<10240x64xf32, #tpu.memory_space<hbm>>
      %dma_wait3A_184 = arith.constant 0 : i32
      %dma_wait3A_185 = arith.constant 0 : i32
      %dma_wait3A_186 = tpu.memref_slice %dma_wait3A_183[%dma_wait3A_184, %dma_wait3A_185] : memref<10240x64xf32, #tpu.memory_space<hbm>> -> memref<10240x64xf32, #tpu.memory_space<hbm>>
      tpu.wait_indirect_dma semaphore(%arg10 : memref<!tpu.dma_semaphore, #tpu.memory_space<semaphore_mem>>) src(%dma_wait3A_186 : memref<10240x64xf32, #tpu.memory_space<hbm>>) dst(%dma_wait3A_177 : memref<200x64xf32, #tpu.memory_space<vmem>>)
      %add3A_187 = arith.constant 2 : i32
      %add3A_188 = arith.addi %mul3A_119, %add3A_187 : i32
      %mul3A_189 = arith.constant 200 : i32
      %mul3A_190 = arith.muli %add3A_188, %mul3A_189 : i32
      %dma_start3A_191 = arith.constant 2 : i32
      %dma_start3A_192 = arith.constant 0 : i32
      %dma_start3A_193 = arith.constant 0 : i32
      %dma_start3A_194 = tpu.memref_slice %arg8[%dma_start3A_191, %dma_start3A_192, %dma_start3A_193] : memref<3x200x64xf32, #tpu.memory_space<vmem>> -> memref<1x200x64xf32, #tpu.memory_space<vmem>>
      %dma_start3A_195 = tpu.memref_squeeze %dma_start3A_194 : memref<1x200x64xf32, #tpu.memory_space<vmem>> -> memref<200x64xf32, #tpu.memory_space<vmem>>
      %dma_start3A_196 = tpu.memref_slice %arg7[%mul3A_190] : memref<20000xi32, #tpu.memory_space<vmem>> -> memref<200xi32, #tpu.memory_space<vmem>>
      %dma_start3A_197 = arith.constant 0 : i32
      %dma_start3A_198 = arith.constant 0 : i32
      %dma_start3A_199 = tpu.memref_slice %arg9[%dma_start3A_197, %dma_start3A_198] : memref<10240x64xf32, #tpu.memory_space<vmem_shared>> -> memref<10240x64xf32, #tpu.memory_space<vmem_shared>>
      tpu.enqueue_indirect_dma source(%dma_start3A_195 : memref<200x64xf32, #tpu.memory_space<vmem>>) target(%dma_start3A_199 : memref<10240x64xf32, #tpu.memory_space<vmem_shared>>) offsets(%dma_start3A_196 : memref<200xi32, #tpu.memory_space<vmem>>) semaphore(%arg11 : memref<!tpu.dma_semaphore, #tpu.memory_space<semaphore_mem>>) {add = true}
      %dma_wait3A_200 = arith.constant 0 : i32
      %dma_wait3A_201 = arith.constant 0 : i32
      %dma_wait3A_202 = arith.constant 0 : i32
      %dma_wait3A_203 = tpu.memref_slice %arg8[%dma_wait3A_200, %dma_wait3A_201, %dma_wait3A_202] : memref<3x200x64xf32, #tpu.memory_space<vmem>> -> memref<1x200x64xf32, #tpu.memory_space<vmem>>
      %dma_wait3A_204 = tpu.memref_squeeze %dma_wait3A_203 : memref<1x200x64xf32, #tpu.memory_space<vmem>> -> memref<200x64xf32, #tpu.memory_space<vmem>>
      %dma_wait3A_205 = arith.constant 0 : i32
      %dma_wait3A_206 = tpu.memref_slice %arg7[%dma_wait3A_205] : memref<20000xi32, #tpu.memory_space<vmem>> -> memref<200xi32, #tpu.memory_space<vmem>>
      %dma_wait3A_207 = arith.constant 0 : i32
      %dma_wait3A_208 = arith.constant 0 : i32
      %dma_wait3A_209 = tpu.memref_slice %arg9[%dma_wait3A_207, %dma_wait3A_208] : memref<10240x64xf32, #tpu.memory_space<vmem_shared>> -> memref<10240x64xf32, #tpu.memory_space<vmem_shared>>
      tpu.wait_indirect_dma semaphore(%arg11 : memref<!tpu.dma_semaphore, #tpu.memory_space<semaphore_mem>>) src(%dma_wait3A_204 : memref<200x64xf32, #tpu.memory_space<vmem>>) dst(%dma_wait3A_209 : memref<10240x64xf32, #tpu.memory_space<vmem_shared>>)
      %add3A_210 = arith.constant 3 : i32
      %add3A_211 = arith.addi %mul3A_119, %add3A_210 : i32
      %add3A_212 = arith.constant 0 : i32
      %add3A_213 = arith.addi %add3A_211, %add3A_212 : i32
      %min3A = arith.constant 99 : i32
      %min3A_214 = arith.minsi %add3A_213, %min3A : i32
      %mul3A_215 = arith.constant 200 : i32
      %mul3A_216 = arith.muli %min3A_214, %mul3A_215 : i32
      %dma_start3A_217 = arith.constant 0 : i32
      %dma_start3A_218 = arith.constant 0 : i32
      %dma_start3A_219 = arith.constant 0 : i32
      %dma_start3A_220 = tpu.memref_slice %arg8[%dma_start3A_217, %dma_start3A_218, %dma_start3A_219] : memref<3x200x64xf32, #tpu.memory_space<vmem>> -> memref<1x200x64xf32, #tpu.memory_space<vmem>>
      %dma_start3A_221 = tpu.memref_squeeze %dma_start3A_220 : memref<1x200x64xf32, #tpu.memory_space<vmem>> -> memref<200x64xf32, #tpu.memory_space<vmem>>
      %dma_start3A_222 = tpu.memref_slice %arg6[%mul3A_216] : memref<20000xi32, #tpu.memory_space<vmem>> -> memref<200xi32, #tpu.memory_space<vmem>>
      %dma_start3A_223 = arith.constant 0 : i32
      %dma_start3A_224 = arith.constant 0 : i32
      %dma_start3A_225 = tpu.memref_slice %arg2[%arg0, %dma_start3A_223, %dma_start3A_224] : memref<2x10240x64xf32, #tpu.memory_space<hbm>> -> memref<1x10240x64xf32, #tpu.memory_space<hbm>>
      %dma_start3A_226 = tpu.memref_squeeze %dma_start3A_225 : memref<1x10240x64xf32, #tpu.memory_space<hbm>> -> memref<10240x64xf32, #tpu.memory_space<hbm>>
      %dma_start3A_227 = arith.constant 0 : i32
      %dma_start3A_228 = arith.constant 0 : i32
      %dma_start3A_229 = tpu.memref_slice %dma_start3A_226[%dma_start3A_227, %dma_start3A_228] : memref<10240x64xf32, #tpu.memory_space<hbm>> -> memref<10240x64xf32, #tpu.memory_space<hbm>>
      tpu.enqueue_indirect_dma source(%dma_start3A_229 : memref<10240x64xf32, #tpu.memory_space<hbm>>) target(%dma_start3A_221 : memref<200x64xf32, #tpu.memory_space<vmem>>) offsets(%dma_start3A_222 : memref<200xi32, #tpu.memory_space<vmem>>) semaphore(%arg10 : memref<!tpu.dma_semaphore, #tpu.memory_space<semaphore_mem>>)
      %dma_wait3A_230 = arith.constant 1 : i32
      %dma_wait3A_231 = arith.constant 0 : i32
      %dma_wait3A_232 = arith.constant 0 : i32
      %dma_wait3A_233 = tpu.memref_slice %arg8[%dma_wait3A_230, %dma_wait3A_231, %dma_wait3A_232] : memref<3x200x64xf32, #tpu.memory_space<vmem>> -> memref<1x200x64xf32, #tpu.memory_space<vmem>>
      %dma_wait3A_234 = tpu.memref_squeeze %dma_wait3A_233 : memref<1x200x64xf32, #tpu.memory_space<vmem>> -> memref<200x64xf32, #tpu.memory_space<vmem>>
      %dma_wait3A_235 = arith.constant 0 : i32
      %dma_wait3A_236 = tpu.memref_slice %arg7[%dma_wait3A_235] : memref<20000xi32, #tpu.memory_space<vmem>> -> memref<200xi32, #tpu.memory_space<vmem>>
      %dma_wait3A_237 = arith.constant 0 : i32
      %dma_wait3A_238 = arith.constant 0 : i32
      %dma_wait3A_239 = tpu.memref_slice %arg9[%dma_wait3A_237, %dma_wait3A_238] : memref<10240x64xf32, #tpu.memory_space<vmem_shared>> -> memref<10240x64xf32, #tpu.memory_space<vmem_shared>>
      tpu.wait_indirect_dma semaphore(%arg11 : memref<!tpu.dma_semaphore, #tpu.memory_space<semaphore_mem>>) src(%dma_wait3A_234 : memref<200x64xf32, #tpu.memory_space<vmem>>) dst(%dma_wait3A_239 : memref<10240x64xf32, #tpu.memory_space<vmem_shared>>)
      %add3A_240 = arith.constant 3 : i32
      %add3A_241 = arith.addi %mul3A_119, %add3A_240 : i32
      %add3A_242 = arith.constant 1 : i32
      %add3A_243 = arith.addi %add3A_241, %add3A_242 : i32
      %min3A_244 = arith.constant 99 : i32
      %min3A_245 = arith.minsi %add3A_243, %min3A_244 : i32
      %mul3A_246 = arith.constant 200 : i32
      %mul3A_247 = arith.muli %min3A_245, %mul3A_246 : i32
      %dma_start3A_248 = arith.constant 1 : i32
      %dma_start3A_249 = arith.constant 0 : i32
      %dma_start3A_250 = arith.constant 0 : i32
      %dma_start3A_251 = tpu.memref_slice %arg8[%dma_start3A_248, %dma_start3A_249, %dma_start3A_250] : memref<3x200x64xf32, #tpu.memory_space<vmem>> -> memref<1x200x64xf32, #tpu.memory_space<vmem>>
      %dma_start3A_252 = tpu.memref_squeeze %dma_start3A_251 : memref<1x200x64xf32, #tpu.memory_space<vmem>> -> memref<200x64xf32, #tpu.memory_space<vmem>>
      %dma_start3A_253 = tpu.memref_slice %arg6[%mul3A_247] : memref<20000xi32, #tpu.memory_space<vmem>> -> memref<200xi32, #tpu.memory_space<vmem>>
      %dma_start3A_254 = arith.constant 0 : i32
      %dma_start3A_255 = arith.constant 0 : i32
      %dma_start3A_256 = tpu.memref_slice %arg2[%arg0, %dma_start3A_254, %dma_start3A_255] : memref<2x10240x64xf32, #tpu.memory_space<hbm>> -> memref<1x10240x64xf32, #tpu.memory_space<hbm>>
      %dma_start3A_257 = tpu.memref_squeeze %dma_start3A_256 : memref<1x10240x64xf32, #tpu.memory_space<hbm>> -> memref<10240x64xf32, #tpu.memory_space<hbm>>
      %dma_start3A_258 = arith.constant 0 : i32
      %dma_start3A_259 = arith.constant 0 : i32
      %dma_start3A_260 = tpu.memref_slice %dma_start3A_257[%dma_start3A_258, %dma_start3A_259] : memref<10240x64xf32, #tpu.memory_space<hbm>> -> memref<10240x64xf32, #tpu.memory_space<hbm>>
      tpu.enqueue_indirect_dma source(%dma_start3A_260 : memref<10240x64xf32, #tpu.memory_space<hbm>>) target(%dma_start3A_252 : memref<200x64xf32, #tpu.memory_space<vmem>>) offsets(%dma_start3A_253 : memref<200xi32, #tpu.memory_space<vmem>>) semaphore(%arg10 : memref<!tpu.dma_semaphore, #tpu.memory_space<semaphore_mem>>)
      %dma_wait3A_261 = arith.constant 2 : i32
      %dma_wait3A_262 = arith.constant 0 : i32
      %dma_wait3A_263 = arith.constant 0 : i32
      %dma_wait3A_264 = tpu.memref_slice %arg8[%dma_wait3A_261, %dma_wait3A_262, %dma_wait3A_263] : memref<3x200x64xf32, #tpu.memory_space<vmem>> -> memref<1x200x64xf32, #tpu.memory_space<vmem>>
      %dma_wait3A_265 = tpu.memref_squeeze %dma_wait3A_264 : memref<1x200x64xf32, #tpu.memory_space<vmem>> -> memref<200x64xf32, #tpu.memory_space<vmem>>
      %dma_wait3A_266 = arith.constant 0 : i32
      %dma_wait3A_267 = tpu.memref_slice %arg7[%dma_wait3A_266] : memref<20000xi32, #tpu.memory_space<vmem>> -> memref<200xi32, #tpu.memory_space<vmem>>
      %dma_wait3A_268 = arith.constant 0 : i32
      %dma_wait3A_269 = arith.constant 0 : i32
      %dma_wait3A_270 = tpu.memref_slice %arg9[%dma_wait3A_268, %dma_wait3A_269] : memref<10240x64xf32, #tpu.memory_space<vmem_shared>> -> memref<10240x64xf32, #tpu.memory_space<vmem_shared>>
      tpu.wait_indirect_dma semaphore(%arg11 : memref<!tpu.dma_semaphore, #tpu.memory_space<semaphore_mem>>) src(%dma_wait3A_265 : memref<200x64xf32, #tpu.memory_space<vmem>>) dst(%dma_wait3A_270 : memref<10240x64xf32, #tpu.memory_space<vmem_shared>>)
      %add3A_271 = arith.constant 3 : i32
      %add3A_272 = arith.addi %mul3A_119, %add3A_271 : i32
      %add3A_273 = arith.constant 2 : i32
      %add3A_274 = arith.addi %add3A_272, %add3A_273 : i32
      %min3A_275 = arith.constant 99 : i32
      %min3A_276 = arith.minsi %add3A_274, %min3A_275 : i32
      %mul3A_277 = arith.constant 200 : i32
      %mul3A_278 = arith.muli %min3A_276, %mul3A_277 : i32
      %dma_start3A_279 = arith.constant 2 : i32
      %dma_start3A_280 = arith.constant 0 : i32
      %dma_start3A_281 = arith.constant 0 : i32
      %dma_start3A_282 = tpu.memref_slice %arg8[%dma_start3A_279, %dma_start3A_280, %dma_start3A_281] : memref<3x200x64xf32, #tpu.memory_space<vmem>> -> memref<1x200x64xf32, #tpu.memory_space<vmem>>
      %dma_start3A_283 = tpu.memref_squeeze %dma_start3A_282 : memref<1x200x64xf32, #tpu.memory_space<vmem>> -> memref<200x64xf32, #tpu.memory_space<vmem>>
      %dma_start3A_284 = tpu.memref_slice %arg6[%mul3A_278] : memref<20000xi32, #tpu.memory_space<vmem>> -> memref<200xi32, #tpu.memory_space<vmem>>
      %dma_start3A_285 = arith.constant 0 : i32
      %dma_start3A_286 = arith.constant 0 : i32
      %dma_start3A_287 = tpu.memref_slice %arg2[%arg0, %dma_start3A_285, %dma_start3A_286] : memref<2x10240x64xf32, #tpu.memory_space<hbm>> -> memref<1x10240x64xf32, #tpu.memory_space<hbm>>
      %dma_start3A_288 = tpu.memref_squeeze %dma_start3A_287 : memref<1x10240x64xf32, #tpu.memory_space<hbm>> -> memref<10240x64xf32, #tpu.memory_space<hbm>>
      %dma_start3A_289 = arith.constant 0 : i32
      %dma_start3A_290 = arith.constant 0 : i32
      %dma_start3A_291 = tpu.memref_slice %dma_start3A_288[%dma_start3A_289, %dma_start3A_290] : memref<10240x64xf32, #tpu.memory_space<hbm>> -> memref<10240x64xf32, #tpu.memory_space<hbm>>
      tpu.enqueue_indirect_dma source(%dma_start3A_291 : memref<10240x64xf32, #tpu.memory_space<hbm>>) target(%dma_start3A_283 : memref<200x64xf32, #tpu.memory_space<vmem>>) offsets(%dma_start3A_284 : memref<200xi32, #tpu.memory_space<vmem>>) semaphore(%arg10 : memref<!tpu.dma_semaphore, #tpu.memory_space<semaphore_mem>>)
      %scan3A_292 = arith.constant 0 : i32
      scf.yield %scan3A_292 : i32
    }
    %scan3A_49 = arith.constant 33 : i32
    %dma_wait3A = arith.constant 0 : i32
    %dma_wait3A_50 = arith.constant 0 : i32
    %dma_wait3A_51 = arith.constant 0 : i32
    %dma_wait3A_52 = tpu.memref_slice %arg8[%dma_wait3A, %dma_wait3A_50, %dma_wait3A_51] : memref<3x200x64xf32, #tpu.memory_space<vmem>> -> memref<1x200x64xf32, #tpu.memory_space<vmem>>
    %dma_wait3A_53 = tpu.memref_squeeze %dma_wait3A_52 : memref<1x200x64xf32, #tpu.memory_space<vmem>> -> memref<200x64xf32, #tpu.memory_space<vmem>>
    %dma_wait3A_54 = arith.constant 0 : i32
    %dma_wait3A_55 = tpu.memref_slice %arg6[%dma_wait3A_54] : memref<20000xi32, #tpu.memory_space<vmem>> -> memref<200xi32, #tpu.memory_space<vmem>>
    %dma_wait3A_56 = arith.constant 0 : i32
    %dma_wait3A_57 = arith.constant 0 : i32
    %dma_wait3A_58 = tpu.memref_slice %arg2[%arg0, %dma_wait3A_56, %dma_wait3A_57] : memref<2x10240x64xf32, #tpu.memory_space<hbm>> -> memref<1x10240x64xf32, #tpu.memory_space<hbm>>
    %dma_wait3A_59 = tpu.memref_squeeze %dma_wait3A_58 : memref<1x10240x64xf32, #tpu.memory_space<hbm>> -> memref<10240x64xf32, #tpu.memory_space<hbm>>
    %dma_wait3A_60 = arith.constant 0 : i32
    %dma_wait3A_61 = arith.constant 0 : i32
    %dma_wait3A_62 = tpu.memref_slice %dma_wait3A_59[%dma_wait3A_60, %dma_wait3A_61] : memref<10240x64xf32, #tpu.memory_space<hbm>> -> memref<10240x64xf32, #tpu.memory_space<hbm>>
    tpu.wait_indirect_dma semaphore(%arg10 : memref<!tpu.dma_semaphore, #tpu.memory_space<semaphore_mem>>) src(%dma_wait3A_62 : memref<10240x64xf32, #tpu.memory_space<hbm>>) dst(%dma_wait3A_53 : memref<200x64xf32, #tpu.memory_space<vmem>>)
    %dma_start3A_63 = arith.constant 0 : i32
    %dma_start3A_64 = arith.constant 0 : i32
    %dma_start3A_65 = arith.constant 0 : i32
    %dma_start3A_66 = tpu.memref_slice %arg8[%dma_start3A_63, %dma_start3A_64, %dma_start3A_65] : memref<3x200x64xf32, #tpu.memory_space<vmem>> -> memref<1x200x64xf32, #tpu.memory_space<vmem>>
    %dma_start3A_67 = tpu.memref_squeeze %dma_start3A_66 : memref<1x200x64xf32, #tpu.memory_space<vmem>> -> memref<200x64xf32, #tpu.memory_space<vmem>>
    %dma_start3A_68 = arith.constant 19800 : i32
    %dma_start3A_69 = tpu.memref_slice %arg7[%dma_start3A_68] : memref<20000xi32, #tpu.memory_space<vmem>> -> memref<200xi32, #tpu.memory_space<vmem>>
    %dma_start3A_70 = arith.constant 0 : i32
    %dma_start3A_71 = arith.constant 0 : i32
    %dma_start3A_72 = tpu.memref_slice %arg9[%dma_start3A_70, %dma_start3A_71] : memref<10240x64xf32, #tpu.memory_space<vmem_shared>> -> memref<10240x64xf32, #tpu.memory_space<vmem_shared>>
    tpu.enqueue_indirect_dma source(%dma_start3A_67 : memref<200x64xf32, #tpu.memory_space<vmem>>) target(%dma_start3A_72 : memref<10240x64xf32, #tpu.memory_space<vmem_shared>>) offsets(%dma_start3A_69 : memref<200xi32, #tpu.memory_space<vmem>>) semaphore(%arg11 : memref<!tpu.dma_semaphore, #tpu.memory_space<semaphore_mem>>) {add = true}
    %dma_wait3A_73 = arith.constant 1 : i32
    %dma_wait3A_74 = arith.constant 0 : i32
    %dma_wait3A_75 = arith.constant 0 : i32
    %dma_wait3A_76 = tpu.memref_slice %arg8[%dma_wait3A_73, %dma_wait3A_74, %dma_wait3A_75] : memref<3x200x64xf32, #tpu.memory_space<vmem>> -> memref<1x200x64xf32, #tpu.memory_space<vmem>>
    %dma_wait3A_77 = tpu.memref_squeeze %dma_wait3A_76 : memref<1x200x64xf32, #tpu.memory_space<vmem>> -> memref<200x64xf32, #tpu.memory_space<vmem>>
    %dma_wait3A_78 = arith.constant 0 : i32
    %dma_wait3A_79 = tpu.memref_slice %arg6[%dma_wait3A_78] : memref<20000xi32, #tpu.memory_space<vmem>> -> memref<200xi32, #tpu.memory_space<vmem>>
    %dma_wait3A_80 = arith.constant 0 : i32
    %dma_wait3A_81 = arith.constant 0 : i32
    %dma_wait3A_82 = tpu.memref_slice %arg2[%arg0, %dma_wait3A_80, %dma_wait3A_81] : memref<2x10240x64xf32, #tpu.memory_space<hbm>> -> memref<1x10240x64xf32, #tpu.memory_space<hbm>>
    %dma_wait3A_83 = tpu.memref_squeeze %dma_wait3A_82 : memref<1x10240x64xf32, #tpu.memory_space<hbm>> -> memref<10240x64xf32, #tpu.memory_space<hbm>>
    %dma_wait3A_84 = arith.constant 0 : i32
    %dma_wait3A_85 = arith.constant 0 : i32
    %dma_wait3A_86 = tpu.memref_slice %dma_wait3A_83[%dma_wait3A_84, %dma_wait3A_85] : memref<10240x64xf32, #tpu.memory_space<hbm>> -> memref<10240x64xf32, #tpu.memory_space<hbm>>
    tpu.wait_indirect_dma semaphore(%arg10 : memref<!tpu.dma_semaphore, #tpu.memory_space<semaphore_mem>>) src(%dma_wait3A_86 : memref<10240x64xf32, #tpu.memory_space<hbm>>) dst(%dma_wait3A_77 : memref<200x64xf32, #tpu.memory_space<vmem>>)
    %dma_wait3A_87 = arith.constant 2 : i32
    %dma_wait3A_88 = arith.constant 0 : i32
    %dma_wait3A_89 = arith.constant 0 : i32
    %dma_wait3A_90 = tpu.memref_slice %arg8[%dma_wait3A_87, %dma_wait3A_88, %dma_wait3A_89] : memref<3x200x64xf32, #tpu.memory_space<vmem>> -> memref<1x200x64xf32, #tpu.memory_space<vmem>>
    %dma_wait3A_91 = tpu.memref_squeeze %dma_wait3A_90 : memref<1x200x64xf32, #tpu.memory_space<vmem>> -> memref<200x64xf32, #tpu.memory_space<vmem>>
    %dma_wait3A_92 = arith.constant 0 : i32
    %dma_wait3A_93 = tpu.memref_slice %arg6[%dma_wait3A_92] : memref<20000xi32, #tpu.memory_space<vmem>> -> memref<200xi32, #tpu.memory_space<vmem>>
    %dma_wait3A_94 = arith.constant 0 : i32
    %dma_wait3A_95 = arith.constant 0 : i32
    %dma_wait3A_96 = tpu.memref_slice %arg2[%arg0, %dma_wait3A_94, %dma_wait3A_95] : memref<2x10240x64xf32, #tpu.memory_space<hbm>> -> memref<1x10240x64xf32, #tpu.memory_space<hbm>>
    %dma_wait3A_97 = tpu.memref_squeeze %dma_wait3A_96 : memref<1x10240x64xf32, #tpu.memory_space<hbm>> -> memref<10240x64xf32, #tpu.memory_space<hbm>>
    %dma_wait3A_98 = arith.constant 0 : i32
    %dma_wait3A_99 = arith.constant 0 : i32
    %dma_wait3A_100 = tpu.memref_slice %dma_wait3A_97[%dma_wait3A_98, %dma_wait3A_99] : memref<10240x64xf32, #tpu.memory_space<hbm>> -> memref<10240x64xf32, #tpu.memory_space<hbm>>
    tpu.wait_indirect_dma semaphore(%arg10 : memref<!tpu.dma_semaphore, #tpu.memory_space<semaphore_mem>>) src(%dma_wait3A_100 : memref<10240x64xf32, #tpu.memory_space<hbm>>) dst(%dma_wait3A_91 : memref<200x64xf32, #tpu.memory_space<vmem>>)
    %dma_wait3A_101 = arith.constant 0 : i32
    %dma_wait3A_102 = arith.constant 0 : i32
    %dma_wait3A_103 = arith.constant 0 : i32
    %dma_wait3A_104 = tpu.memref_slice %arg8[%dma_wait3A_101, %dma_wait3A_102, %dma_wait3A_103] : memref<3x200x64xf32, #tpu.memory_space<vmem>> -> memref<1x200x64xf32, #tpu.memory_space<vmem>>
    %dma_wait3A_105 = tpu.memref_squeeze %dma_wait3A_104 : memref<1x200x64xf32, #tpu.memory_space<vmem>> -> memref<200x64xf32, #tpu.memory_space<vmem>>
    %dma_wait3A_106 = arith.constant 0 : i32
    %dma_wait3A_107 = tpu.memref_slice %arg7[%dma_wait3A_106] : memref<20000xi32, #tpu.memory_space<vmem>> -> memref<200xi32, #tpu.memory_space<vmem>>
    %dma_wait3A_108 = arith.constant 0 : i32
    %dma_wait3A_109 = arith.constant 0 : i32
    %dma_wait3A_110 = tpu.memref_slice %arg9[%dma_wait3A_108, %dma_wait3A_109] : memref<10240x64xf32, #tpu.memory_space<vmem_shared>> -> memref<10240x64xf32, #tpu.memory_space<vmem_shared>>
    tpu.wait_indirect_dma semaphore(%arg11 : memref<!tpu.dma_semaphore, #tpu.memory_space<semaphore_mem>>) src(%dma_wait3A_105 : memref<200x64xf32, #tpu.memory_space<vmem>>) dst(%dma_wait3A_110 : memref<10240x64xf32, #tpu.memory_space<vmem_shared>>)
    %barrier3A_111 = arith.constant 0 : index
    tpu.barrier barrier_id(%barrier3A_111)
    %mul3A_112 = arith.constant 640 : i32
    %mul3A_113 = arith.muli %arg1, %mul3A_112 : i32
    %mul3A_114 = arith.constant 640 : i32
    %mul3A_115 = arith.muli %arg1, %mul3A_114 : i32
    "tpu.region"() ({
      %run_scoped3A = tpu.sem_alloc : memref<!tpu.dma_semaphore, #tpu.memory_space<semaphore_mem>>
      %dma_start3A_116 = arith.constant 0 : i32
      %dma_start3A_117 = tpu.memref_slice %arg5[%arg0, %mul3A_115, %dma_start3A_116] : memref<2x10240x64xf32, #tpu.memory_space<hbm>> -> memref<1x640x64xf32, #tpu.memory_space<hbm>>
      %dma_start3A_118 = tpu.memref_squeeze %dma_start3A_117 : memref<1x640x64xf32, #tpu.memory_space<hbm>> -> memref<640x64xf32, #tpu.memory_space<hbm>>
      %dma_start3A_119 = arith.constant 0 : i32
      %dma_start3A_120 = tpu.memref_slice %arg9[%mul3A_113, %dma_start3A_119] : memref<10240x64xf32, #tpu.memory_space<vmem_shared>> -> memref<640x64xf32, #tpu.memory_space<vmem_shared>>
      tpu.enqueue_dma source(%dma_start3A_120 : memref<640x64xf32, #tpu.memory_space<vmem_shared>>) target(%dma_start3A_118 : memref<640x64xf32, #tpu.memory_space<hbm>>) target_semaphore(%run_scoped3A : memref<!tpu.dma_semaphore, #tpu.memory_space<semaphore_mem>>)
      %dma_wait3A_121 = arith.constant 0 : i32
      %dma_wait3A_122 = tpu.memref_slice %arg5[%arg0, %mul3A_115, %dma_wait3A_121] : memref<2x10240x64xf32, #tpu.memory_space<hbm>> -> memref<1x640x64xf32, #tpu.memory_space<hbm>>
      %dma_wait3A_123 = tpu.memref_squeeze %dma_wait3A_122 : memref<1x640x64xf32, #tpu.memory_space<hbm>> -> memref<640x64xf32, #tpu.memory_space<hbm>>
      %dma_wait3A_124 = arith.constant 0 : i32
      %dma_wait3A_125 = tpu.memref_slice %arg9[%mul3A_113, %dma_wait3A_124] : memref<10240x64xf32, #tpu.memory_space<vmem_shared>> -> memref<640x64xf32, #tpu.memory_space<vmem_shared>>
      tpu.wait_dma2 semaphore(%run_scoped3A : memref<!tpu.dma_semaphore, #tpu.memory_space<semaphore_mem>>) src(%dma_wait3A_125 : memref<640x64xf32, #tpu.memory_space<vmem_shared>>) dst(%dma_wait3A_123 : memref<640x64xf32, #tpu.memory_space<hbm>>)
      tpu.yield
    }) : () -> ()
    return
  }
}

module attributes {stable_mosaic.version = 14 : i64} {
  func.func @_mm_scale_body(%arg0: i32, %arg1: i32, %arg2: memref<1x1024x16xf32, #tpu.memory_space<vmem>>, %arg3: memref<1x1024x16xf32, #tpu.memory_space<vmem>>, %arg4: memref<1024x128xf32, #tpu.memory_space<vmem>>, %arg5: memref<1x128x64xf32, #tpu.memory_space<vmem>>, %arg6: memref<1x1024x64xf32, #tpu.memory_space<vmem>>) attributes {dimension_semantics = [#tpu.dimension_semantics<arbitrary>, #tpu.dimension_semantics<arbitrary>], iteration_bounds = array<i64: 10, 2>, scalar_prefetch = 0 : i64, scratch_operands = 0 : i64, tpu.core_type = #tpu.core_type<tc>, window_params = [{transform_indices = @transform_0, window_bounds = array<i64: 1, 1024, 16>}, {transform_indices = @transform_1, window_bounds = array<i64: 1, 1024, 16>}, {transform_indices = @transform_2, window_bounds = array<i64: 1024, 128>}, {transform_indices = @transform_3, window_bounds = array<i64: 1, 128, 64>}, {transform_indices = @transform_4, window_bounds = array<i64: 1, 1024, 64>}]} {
    %get3A = arith.constant 0 : index
    %get3A_0 = arith.constant 0 : index
    %get3A_1 = arith.constant 0 : index
    %get3A_2 = vector.load %arg2[%get3A, %get3A_0, %get3A_1] : memref<1x1024x16xf32, #tpu.memory_space<vmem>>, vector<1x1024x1xf32>
    %get3A_3 = vector.shape_cast %get3A_2 : vector<1x1024x1xf32> to vector<1024x1xf32>
    %get3A_4 = arith.constant 0 : index
    %get3A_5 = arith.constant 0 : index
    %get3A_6 = arith.constant 0 : index
    %get3A_7 = vector.load %arg3[%get3A_4, %get3A_5, %get3A_6] : memref<1x1024x16xf32, #tpu.memory_space<vmem>>, vector<1x1024x1xf32>
    %get3A_8 = vector.shape_cast %get3A_7 : vector<1x1024x1xf32> to vector<1024x1xf32>
    %add3A = arith.addf %get3A_3, %get3A_8 : vector<1024x1xf32>
    %add3A_9 = arith.constant 1.000000e+00 : f32
    %add3A_10 = vector.broadcast %add3A_9 : f32 to vector<1024x1xf32>
    %add3A_11 = arith.addf %add3A, %add3A_10 : vector<1024x1xf32>
    %rsqrt3A = math.rsqrt %add3A_11 : vector<1024x1xf32>
    %get3A_12 = arith.constant 0 : index
    %get3A_13 = arith.constant 0 : index
    %get3A_14 = vector.load %arg4[%get3A_12, %get3A_13] : memref<1024x128xf32, #tpu.memory_space<vmem>>, vector<1024x128xf32>
    %get3A_15 = arith.constant 0 : index
    %get3A_16 = arith.constant 0 : index
    %get3A_17 = arith.constant 0 : index
    %get3A_18 = vector.load %arg5[%get3A_15, %get3A_16, %get3A_17] : memref<1x128x64xf32, #tpu.memory_space<vmem>>, vector<1x128x64xf32>
    %get3A_19 = vector.shape_cast %get3A_18 : vector<1x128x64xf32> to vector<128x64xf32>
    %dot_general3A = arith.constant dense<0.000000e+00> : vector<1024x64xf32>
    %dot_general3A_20 = tpu.matmul %get3A_14, %get3A_19, %dot_general3A {dimension_numbers = #tpu.dot_dimension_numbers<[1], [0], [0], [1], [0, 0, 1, 1], [], []>, transpose_lhs_hint = false} : vector<1024x128xf32>, vector<128x64xf32>, vector<1024x64xf32> -> vector<1024x64xf32>
    %mul3A = vector.broadcast %rsqrt3A : vector<1024x1xf32> to vector<1024x64xf32>
    %mul3A_21 = arith.mulf %mul3A, %dot_general3A_20 : vector<1024x64xf32>
    %broadcast_in_dim3A = vector.shape_cast %mul3A_21 : vector<1024x64xf32> to vector<1x1024x64xf32>
    %swap3A = arith.constant 0 : index
    %swap3A_22 = arith.constant 0 : index
    %swap3A_23 = arith.constant 0 : index
    %swap3A_24 = vector.load %arg6[%swap3A, %swap3A_22, %swap3A_23] : memref<1x1024x64xf32, #tpu.memory_space<vmem>>, vector<1x1024x64xf32>
    tpu.vector_store %arg6[%swap3A, %swap3A_22, %swap3A_23], %broadcast_in_dim3A {strides = array<i32>} : memref<1x1024x64xf32, #tpu.memory_space<vmem>>, vector<1x1024x64xf32>,
    return
  }
  func.func @transform_0(%arg0: i32, %arg1: i32) -> (i32, i32, i32) {
    %c0_i32 = arith.constant 0 : i32
    %c0_i32_0 = arith.constant 0 : i32
    %c0_i32_1 = arith.constant 0 : i32
    return %c0_i32, %arg0, %c0_i32_0 : i32, i32, i32
  }
  func.func @transform_1(%arg0: i32, %arg1: i32) -> (i32, i32, i32) {
    %c1_i32 = arith.constant 1 : i32
    %c0_i32 = arith.constant 0 : i32
    %c0_i32_0 = arith.constant 0 : i32
    return %c1_i32, %arg0, %c0_i32 : i32, i32, i32
  }
  func.func @transform_2(%arg0: i32, %arg1: i32) -> (i32, i32) {
    %c0_i32 = arith.constant 0 : i32
    %c0_i32_0 = arith.constant 0 : i32
    return %arg0, %c0_i32 : i32, i32
  }
  func.func @transform_3(%arg0: i32, %arg1: i32) -> (i32, i32, i32) {
    %c0_i32 = arith.constant 0 : i32
    %c0_i32_0 = arith.constant 0 : i32
    %c0_i32_1 = arith.constant 0 : i32
    return %arg1, %c0_i32, %c0_i32_0 : i32, i32, i32
  }
  func.func @transform_4(%arg0: i32, %arg1: i32) -> (i32, i32, i32) {
    %c0_i32 = arith.constant 0 : i32
    %c0_i32_0 = arith.constant 0 : i32
    return %arg1, %arg0, %c0_i32 : i32, i32, i32
  }
}

module attributes {stable_mosaic.version = 14 : i64} {
  func.func @_mid_body(%arg0: i32, %arg1: i32, %arg2: memref<1x1024x16xf32, #tpu.memory_space<vmem>>, %arg3: memref<1x1024x16xf32, #tpu.memory_space<vmem>>, %arg4: memref<1x1024x64xf32, #tpu.memory_space<vmem>>, %arg5: memref<1x1024x64xf32, #tpu.memory_space<vmem>>, %arg6: memref<1x128xf32, #tpu.memory_space<vmem>>, %arg7: memref<1x128x64xf32, #tpu.memory_space<vmem>>, %arg8: memref<1x1024x64xf32, #tpu.memory_space<vmem>>) attributes {dimension_semantics = [#tpu.dimension_semantics<arbitrary>, #tpu.dimension_semantics<arbitrary>], iteration_bounds = array<i64: 10, 2>, scalar_prefetch = 0 : i64, scratch_operands = 0 : i64, tpu.core_type = #tpu.core_type<tc>, window_params = [{transform_indices = @transform_0, window_bounds = array<i64: 1, 1024, 16>}, {transform_indices = @transform_1, window_bounds = array<i64: 1, 1024, 16>}, {transform_indices = @transform_2, window_bounds = array<i64: 1, 1024, 64>}, {transform_indices = @transform_3, window_bounds = array<i64: 1, 1024, 64>}, {pipeline_mode = #tpu.pipeline_mode<synchronous>, transform_indices = @transform_4, window_bounds = array<i64: 1, 128>}, {transform_indices = @transform_5, window_bounds = array<i64: 1, 128, 64>}, {transform_indices = @transform_6, window_bounds = array<i64: 1, 1024, 64>}]} {
    %get3A = arith.constant 0 : index
    %get3A_0 = arith.constant 0 : index
    %get3A_1 = arith.constant 0 : index
    %get3A_2 = vector.load %arg2[%get3A, %get3A_0, %get3A_1] : memref<1x1024x16xf32, #tpu.memory_space<vmem>>, vector<1x1024x1xf32>
    %get3A_3 = vector.shape_cast %get3A_2 : vector<1x1024x1xf32> to vector<1024x1xf32>
    %get3A_4 = arith.constant 0 : index
    %get3A_5 = arith.constant 0 : index
    %get3A_6 = arith.constant 0 : index
    %get3A_7 = vector.load %arg3[%get3A_4, %get3A_5, %get3A_6] : memref<1x1024x16xf32, #tpu.memory_space<vmem>>, vector<1x1024x1xf32>
    %get3A_8 = vector.shape_cast %get3A_7 : vector<1x1024x1xf32> to vector<1024x1xf32>
    %add3A = arith.addf %get3A_3, %get3A_8 : vector<1024x1xf32>
    %add3A_9 = arith.constant 1.000000e+00 : f32
    %add3A_10 = vector.broadcast %add3A_9 : f32 to vector<1024x1xf32>
    %add3A_11 = arith.addf %add3A, %add3A_10 : vector<1024x1xf32>
    %rsqrt3A = math.rsqrt %add3A_11 : vector<1024x1xf32>
    %get3A_12 = arith.constant 0 : index
    %get3A_13 = arith.constant 0 : index
    %get3A_14 = arith.constant 0 : index
    %get3A_15 = vector.load %arg4[%get3A_12, %get3A_13, %get3A_14] : memref<1x1024x64xf32, #tpu.memory_space<vmem>>, vector<1x1024x64xf32>
    %get3A_16 = vector.shape_cast %get3A_15 : vector<1x1024x64xf32> to vector<1024x64xf32>
    %mul3A = vector.broadcast %rsqrt3A : vector<1024x1xf32> to vector<1024x64xf32>
    %mul3A_17 = arith.mulf %mul3A, %get3A_16 : vector<1024x64xf32>
    %get3A_18 = arith.constant 0 : index
    %get3A_19 = arith.constant 0 : index
    %get3A_20 = vector.load %arg6[%get3A_18, %get3A_19] : memref<1x128xf32, #tpu.memory_space<vmem>>, vector<1x64xf32>
    %add3A_21 = vector.broadcast %get3A_20 : vector<1x64xf32> to vector<1024x64xf32>
    %add3A_22 = arith.addf %mul3A_17, %add3A_21 : vector<1024x64xf32>
    %get3A_23 = arith.constant 0 : index
    %get3A_24 = arith.constant 0 : index
    %get3A_25 = arith.constant 0 : index
    %get3A_26 = vector.load %arg5[%get3A_23, %get3A_24, %get3A_25] : memref<1x1024x64xf32, #tpu.memory_space<vmem>>, vector<1x1024x64xf32>
    %get3A_27 = vector.shape_cast %get3A_26 : vector<1x1024x64xf32> to vector<1024x64xf32>
    %mul3A_28 = vector.broadcast %rsqrt3A : vector<1024x1xf32> to vector<1024x64xf32>
    %mul3A_29 = arith.mulf %mul3A_28, %get3A_27 : vector<1024x64xf32>
    %get3A_30 = arith.constant 0 : index
    %get3A_31 = arith.constant 64 : index
    %get3A_32 = vector.load %arg6[%get3A_30, %get3A_31] : memref<1x128xf32, #tpu.memory_space<vmem>>, vector<1x64xf32>
    %add3A_33 = vector.broadcast %get3A_32 : vector<1x64xf32> to vector<1024x64xf32>
    %add3A_34 = arith.addf %mul3A_29, %add3A_33 : vector<1024x64xf32>
    %max3A = arith.constant 0.000000e+00 : f32
    %max3A_35 = vector.broadcast %max3A : f32 to vector<1024x64xf32>
    %max3A_36 = arith.maximumf %add3A_22, %max3A_35 : vector<1024x64xf32>
    %max3A_37 = arith.constant 0.000000e+00 : f32
    %max3A_38 = vector.broadcast %max3A_37 : f32 to vector<1024x64xf32>
    %max3A_39 = arith.maximumf %add3A_34, %max3A_38 : vector<1024x64xf32>
    %concatenate3A = tpu.concatenate %max3A_36, %max3A_39 in 1 : vector<1024x64xf32>, vector<1024x64xf32> -> vector<1024x128xf32>
    %get3A_40 = arith.constant 0 : index
    %get3A_41 = arith.constant 0 : index
    %get3A_42 = arith.constant 0 : index
    %get3A_43 = vector.load %arg7[%get3A_40, %get3A_41, %get3A_42] : memref<1x128x64xf32, #tpu.memory_space<vmem>>, vector<1x128x64xf32>
    %get3A_44 = vector.shape_cast %get3A_43 : vector<1x128x64xf32> to vector<128x64xf32>
    %dot_general3A = arith.constant dense<0.000000e+00> : vector<1024x64xf32>
    %dot_general3A_45 = tpu.matmul %concatenate3A, %get3A_44, %dot_general3A {dimension_numbers = #tpu.dot_dimension_numbers<[1], [0], [0], [1], [0, 0, 1, 1], [], []>, transpose_lhs_hint = false} : vector<1024x128xf32>, vector<128x64xf32>, vector<1024x64xf32> -> vector<1024x64xf32>
    %mul3A_46 = vector.broadcast %rsqrt3A : vector<1024x1xf32> to vector<1024x64xf32>
    %mul3A_47 = arith.mulf %mul3A_46, %dot_general3A_45 : vector<1024x64xf32>
    %broadcast_in_dim3A = vector.shape_cast %mul3A_47 : vector<1024x64xf32> to vector<1x1024x64xf32>
    %swap3A = arith.constant 0 : index
    %swap3A_48 = arith.constant 0 : index
    %swap3A_49 = arith.constant 0 : index
    %swap3A_50 = vector.load %arg8[%swap3A, %swap3A_48, %swap3A_49] : memref<1x1024x64xf32, #tpu.memory_space<vmem>>, vector<1x1024x64xf32>
    tpu.vector_store %arg8[%swap3A, %swap3A_48, %swap3A_49], %broadcast_in_dim3A {strides = array<i32>} : memref<1x1024x64xf32, #tpu.memory_space<vmem>>, vector<1x1024x64xf32>,
    return
  }
  func.func @transform_0(%arg0: i32, %arg1: i32) -> (i32, i32, i32) {
    %c0_i32 = arith.constant 0 : i32
    %c0_i32_0 = arith.constant 0 : i32
    %c0_i32_1 = arith.constant 0 : i32
    return %c0_i32, %arg0, %c0_i32_0 : i32, i32, i32
  }
  func.func @transform_1(%arg0: i32, %arg1: i32) -> (i32, i32, i32) {
    %c1_i32 = arith.constant 1 : i32
    %c0_i32 = arith.constant 0 : i32
    %c0_i32_0 = arith.constant 0 : i32
    return %c1_i32, %arg0, %c0_i32 : i32, i32, i32
  }
  func.func @transform_2(%arg0: i32, %arg1: i32) -> (i32, i32, i32) {
    %c0_i32 = arith.constant 0 : i32
    %c0_i32_0 = arith.constant 0 : i32
    %c0_i32_1 = arith.constant 0 : i32
    return %c0_i32, %arg0, %c0_i32_0 : i32, i32, i32
  }
  func.func @transform_3(%arg0: i32, %arg1: i32) -> (i32, i32, i32) {
    %c1_i32 = arith.constant 1 : i32
    %c0_i32 = arith.constant 0 : i32
    %c0_i32_0 = arith.constant 0 : i32
    return %c1_i32, %arg0, %c0_i32 : i32, i32, i32
  }
  func.func @transform_4(%arg0: i32, %arg1: i32) -> (i32, i32) {
    %c0_i32 = arith.constant 0 : i32
    %c0_i32_0 = arith.constant 0 : i32
    %c0_i32_1 = arith.constant 0 : i32
    return %c0_i32, %c0_i32_0 : i32, i32
  }
  func.func @transform_5(%arg0: i32, %arg1: i32) -> (i32, i32, i32) {
    %c0_i32 = arith.constant 0 : i32
    %c0_i32_0 = arith.constant 0 : i32
    %c0_i32_1 = arith.constant 0 : i32
    return %arg1, %c0_i32, %c0_i32_0 : i32, i32, i32
  }
  func.func @transform_6(%arg0: i32, %arg1: i32) -> (i32, i32, i32) {
    %c0_i32 = arith.constant 0 : i32
    %c0_i32_0 = arith.constant 0 : i32
    return %arg1, %arg0, %c0_i32 : i32, i32, i32
  }
}

module attributes {stable_mosaic.version = 14 : i64} {
  func.func @_final_body(%arg0: i32, %arg1: memref<1x1000x16xf32, #tpu.memory_space<vmem>>, %arg2: memref<1x1000x16xf32, #tpu.memory_space<vmem>>, %arg3: memref<1x1000x64xf32, #tpu.memory_space<vmem>>, %arg4: memref<1x1000x64xf32, #tpu.memory_space<vmem>>, %arg5: memref<1x128xf32, #tpu.memory_space<vmem>>, %arg6: memref<1000x128xf32, #tpu.memory_space<vmem>>) attributes {dimension_semantics = [#tpu.dimension_semantics<arbitrary>], iteration_bounds = array<i64: 10>, scalar_prefetch = 0 : i64, scratch_operands = 0 : i64, tpu.core_type = #tpu.core_type<tc>, window_params = [{transform_indices = @transform_0, window_bounds = array<i64: 1, 1000, 16>}, {transform_indices = @transform_1, window_bounds = array<i64: 1, 1000, 16>}, {transform_indices = @transform_2, window_bounds = array<i64: 1, 1000, 64>}, {transform_indices = @transform_3, window_bounds = array<i64: 1, 1000, 64>}, {pipeline_mode = #tpu.pipeline_mode<synchronous>, transform_indices = @transform_4, window_bounds = array<i64: 1, 128>}, {transform_indices = @transform_5, window_bounds = array<i64: 1000, 128>}]} {
    %get3A = arith.constant 0 : index
    %get3A_0 = arith.constant 0 : index
    %get3A_1 = arith.constant 0 : index
    %get3A_2 = vector.load %arg1[%get3A, %get3A_0, %get3A_1] : memref<1x1000x16xf32, #tpu.memory_space<vmem>>, vector<1x1000x1xf32>
    %get3A_3 = vector.shape_cast %get3A_2 : vector<1x1000x1xf32> to vector<1000x1xf32>
    %get3A_4 = arith.constant 0 : index
    %get3A_5 = arith.constant 0 : index
    %get3A_6 = arith.constant 0 : index
    %get3A_7 = vector.load %arg2[%get3A_4, %get3A_5, %get3A_6] : memref<1x1000x16xf32, #tpu.memory_space<vmem>>, vector<1x1000x1xf32>
    %get3A_8 = vector.shape_cast %get3A_7 : vector<1x1000x1xf32> to vector<1000x1xf32>
    %add3A = arith.addf %get3A_3, %get3A_8 : vector<1000x1xf32>
    %add3A_9 = arith.constant 1.000000e+00 : f32
    %add3A_10 = vector.broadcast %add3A_9 : f32 to vector<1000x1xf32>
    %add3A_11 = arith.addf %add3A, %add3A_10 : vector<1000x1xf32>
    %rsqrt3A = math.rsqrt %add3A_11 : vector<1000x1xf32>
    %get3A_12 = arith.constant 0 : index
    %get3A_13 = arith.constant 0 : index
    %get3A_14 = arith.constant 0 : index
    %get3A_15 = vector.load %arg3[%get3A_12, %get3A_13, %get3A_14] : memref<1x1000x64xf32, #tpu.memory_space<vmem>>, vector<1x1000x64xf32>
    %get3A_16 = vector.shape_cast %get3A_15 : vector<1x1000x64xf32> to vector<1000x64xf32>
    %get3A_17 = arith.constant 0 : index
    %get3A_18 = arith.constant 0 : index
    %get3A_19 = arith.constant 0 : index
    %get3A_20 = vector.load %arg4[%get3A_17, %get3A_18, %get3A_19] : memref<1x1000x64xf32, #tpu.memory_space<vmem>>, vector<1x1000x64xf32>
    %get3A_21 = vector.shape_cast %get3A_20 : vector<1x1000x64xf32> to vector<1000x64xf32>
    %concatenate3A = tpu.concatenate %get3A_16, %get3A_21 in 1 : vector<1000x64xf32>, vector<1000x64xf32> -> vector<1000x128xf32>
    %mul3A = vector.broadcast %rsqrt3A : vector<1000x1xf32> to vector<1000x128xf32>
    %mul3A_22 = arith.mulf %mul3A, %concatenate3A : vector<1000x128xf32>
    %get3A_23 = arith.constant 0 : index
    %get3A_24 = arith.constant 0 : index
    %get3A_25 = vector.load %arg5[%get3A_23, %get3A_24] : memref<1x128xf32, #tpu.memory_space<vmem>>, vector<1x128xf32>
    %add3A_26 = vector.broadcast %get3A_25 : vector<1x128xf32> to vector<1000x128xf32>
    %add3A_27 = arith.addf %mul3A_22, %add3A_26 : vector<1000x128xf32>
    %swap3A = arith.constant 0 : index
    %swap3A_28 = arith.constant 0 : index
    %swap3A_29 = vector.load %arg6[%swap3A, %swap3A_28] : memref<1000x128xf32, #tpu.memory_space<vmem>>, vector<1000x128xf32>
    tpu.vector_store %arg6[%swap3A, %swap3A_28], %add3A_27 {strides = array<i32>} : memref<1000x128xf32, #tpu.memory_space<vmem>>, vector<1000x128xf32>,
    return
  }
  func.func @transform_0(%arg0: i32) -> (i32, i32, i32) {
    %c0_i32 = arith.constant 0 : i32
    %c0_i32_0 = arith.constant 0 : i32
    %c0_i32_1 = arith.constant 0 : i32
    return %c0_i32, %arg0, %c0_i32_0 : i32, i32, i32
  }
  func.func @transform_1(%arg0: i32) -> (i32, i32, i32) {
    %c1_i32 = arith.constant 1 : i32
    %c0_i32 = arith.constant 0 : i32
    %c0_i32_0 = arith.constant 0 : i32
    return %c1_i32, %arg0, %c0_i32 : i32, i32, i32
  }
  func.func @transform_2(%arg0: i32) -> (i32, i32, i32) {
    %c0_i32 = arith.constant 0 : i32
    %c0_i32_0 = arith.constant 0 : i32
    %c0_i32_1 = arith.constant 0 : i32
    return %c0_i32, %arg0, %c0_i32_0 : i32, i32, i32
  }
  func.func @transform_3(%arg0: i32) -> (i32, i32, i32) {
    %c1_i32 = arith.constant 1 : i32
    %c0_i32 = arith.constant 0 : i32
    %c0_i32_0 = arith.constant 0 : i32
    return %c1_i32, %arg0, %c0_i32 : i32, i32, i32
  }
  func.func @transform_4(%arg0: i32) -> (i32, i32) {
    %c0_i32 = arith.constant 0 : i32
    %c0_i32_0 = arith.constant 0 : i32
    %c0_i32_1 = arith.constant 0 : i32
    return %c0_i32, %c0_i32_0 : i32, i32
  }
  func.func @transform_5(%arg0: i32) -> (i32, i32) {
    %c0_i32 = arith.constant 0 : i32
    %c0_i32_0 = arith.constant 0 : i32
    return %arg0, %c0_i32 : i32, i32
  }
}

</mosaic_0001>

<sc_bundles>
// kernel: kernel.11.cloned.1.call-start
scs
__scs_entry_jumppad:
0x0: {  	(pc) =	sbr.rel $0x88, $3  }
0x1: {  	(tag) =	ssettag $0x0;
	lr =	simm.s32 $0x1  }
0x2: {  	[smem:$0x3F9B] =	sst lr;
	_ =	strace $0xD0000000  }
0x3: {  	_ = 	snop  }
0x4: {  	_ = 	snop  }
0x5: {  	_ = 	snop  }
0x6: {  	_ = 	snop  }
0x7: {  	_ = 	snop  }
__scs_overlays_trampoline_lowered:
0x8: {  	[smem:$0x3FAA] =	sst s0  }
0x9: {  	[smem:$0x3FAB] =	sst s1  }
0xa: {  	[smem:$0x3FAC] =	sst s2  }
0xb: {  	[smem:$0x3FAD] =	sst s3  }
0xc: {  	[smem:$0x3FAE] =	sst s4  }
0xd: {  	[smem:$0x3FAF] =	sst s5  }
0xe: {  	[smem:$0x3FB0] =	sst s6  }
0xf: {  	[smem:$0x3FB1] =	sst s7  }
0x10: {  	[smem:$0x3FB2] =	sst s8  }
0x11: {  	[smem:$0x3FB3] =	sst s9;
	s0 =	simm.s32 @!p0 $0x0  }
0x12: {  	s1 =	sld [smem:$0x3F99];
	s0 =	simm.s32 @p0 $0x1  }
0x13: {  	[smem:$0x3FB4] =	sst s0;
	s0 =	simm.s32 @!p1 $0x0  }
0x14: {  	s2 =	sld [smem:$0x3F98];
	s0 =	simm.s32 @p1 $0x1  }
0x15: {  	[smem:$0x3FB5] =	sst s0;
	s0 =	simm.s32 @!p2 $0x0  }
0x16: {  	s3 =	sld [smem:$0x3FDB];
	s0 =	simm.s32 @p2 $0x1  }
0x17: {  	s4 =	simm.s32 $0x1BF5;
	[smem:$0x3FB7] =	sst s0  }
0x18: {  	s0 =	sld [smem:$0x3F9A];
	_ =	swait.ge [sflag:s4], $0x0  }
0x19: {  	s7 =	sld [smem:$0x3F9B]  }
0x1a: {  	s8 =	sadd.s32 $0xFFFFE003, lr  }
0x1b: {  	s9 =	sadd.s32 $0xFFFFFEF7, lr;
	s5 =	simm.s32 $0xFFFFFFFF;
	p2 =	slt.u32 s8, $0xFFFFF086  }
0x1c: {  	p1 =	slt.u32 s9, $0xF7A;
	s5 =	simm.s32 @!p2 $0x0  }
0x1d: {  	s5 =	simm.s32 @p1 $0x1;
	p0 =	seq.s32 s7, s2  }
0x1e: {  	s7 =	smul.u32 @!p0 $0xF7A, s2;
	p2 =	seq.s32 @!p0 s5, $0x0  }
0x1f: {  	s9 =	smul.u32 $0xF7A, s1;
	s8 =	simm.s32 @!p0 $0x1BF5;
	p2 =	por !p2, p0  }
0x20: {  	[sflag:s8] =	ssyncset.s32 @!p0 $0xFFFFF086;
	s6 =	sadd.s32 @!p0 s3, s7;
	s7 =	simm.s32 @!p0 $0x108  }
0x21: {  	s3 =	sadd.s32 s3, s9;
	s6 =	sadd.s32 @!p0 $0x88, s6;
	s7 =	simm.s32 @p2 $0x1082  }
0x22: {  	[simem:s7], [sflag:s8] =	dma.local @!p0 [hbm:s6], $0xF7A  }
0x23: {  	s9 =	sor.u32 $0xD0000000, s2;
	s6 =	simm.s32 $0x108;
	_ =	swait.ge @!p0 [sflag:s8], $0x0  }
0x24: {  	s3 =	sadd.s32 $0x88, s3;
	s6 =	simm.s32 @!p1 $0x1082;
	[sflag:s4] =	ssyncset.s32 $0xFFFFF086  }
0x25: {  	[simem:s6], [sflag:s4] =	dma.local [hbm:s3], $0xF7A  }
0x26: {  	[smem:$0x3F9B] =	sst s1;
	(tag) =	ssettag s2;
	_ =	strace s9  }
0x27: {  	s1 =	sld [smem:$0x3FAB]  }
0x28: {  	s2 =	sld [smem:$0x3FAC]  }
0x29: {  	s4 =	sld [smem:$0x3FAE]  }
0x2a: {  	p0 =	seq.s32 s5, $0x0;
	s5 =	sld [smem:$0x3FAF]  }
0x2b: {  	s6 =	sld [smem:$0x3FB0]  }
0x2c: {  	s7 =	sld [smem:$0x3FB1]  }
0x2d: {  	s3 =	simm.s32 $0x108;
	s8 =	sld [smem:$0x3FB2]  }
0x2e: {  	s3 =	simm.s32 @!p0 $0x1082;
	s9 =	sld [smem:$0x3FB3]  }
0x2f: {  	lr =	sadd.s32 s0, s3;
	s0 =	sld [smem:$0x3FAA]  }
0x30: {  	s3 =	sld [smem:$0x3FAD]  }
0x31: {  	[smem:$0x3FB6] =	sst s10  }
0x32: {  	s10 =	sld [smem:$0x3FB4];
	_ =	sdelay $0x3  }
0x33: {  	p0 =	seq.s32 s10, $0x1;
	s10 =	sld [smem:$0x3FB6];
	_ =	sdelay $0x3  }
0x34: {  	[smem:$0x3FB6] =	sst s10  }
0x35: {  	s10 =	sld [smem:$0x3FB5];
	_ =	sdelay $0x3  }
0x36: {  	p1 =	seq.s32 s10, $0x1;
	s10 =	sld [smem:$0x3FB6];
	_ =	sdelay $0x3  }
0x37: {  	[smem:$0x3FB6] =	sst s10  }
0x38: {  	s10 =	sld [smem:$0x3FB7]  }
0x39: {  	_ = 	snop;
	(pc) =	sbr.ind lr, $3  }
0x3a: {  	_ = 	snop  }
0x3b: {  	_ = 	snop  }
0x3c: {  	p2 =	seq.s32 s10, $0x1;
	s10 =	sld [smem:$0x3FB6]  }
0x3d: {  	_ =	shalt  }
0x3e: {  	_ =	shalt  }
0x3f: {  	_ =	shalt  }
0x40: {  	_ =	shalt  }
0x41: {  	_ =	shalt  }
0x42: {  	_ =	shalt  }
0x43: {  	_ =	shalt  }
0x44: {  	_ =	shalt  }
0x45: {  	_ =	shalt  }
0x46: {  	_ =	shalt  }
0x47: {  	_ =	shalt  }
0x48: {  	_ =	shalt  }
0x49: {  	_ =	shalt  }
0x4a: {  	_ =	shalt  }
0x4b: {  	_ =	shalt  }
0x4c: {  	_ =	shalt  }
0x4d: {  	_ =	shalt  }
0x4e: {  	_ =	shalt  }
0x4f: {  	_ =	shalt  }
0x50: {  	_ =	shalt  }
0x51: {  	_ =	shalt  }
0x52: {  	_ =	shalt  }
0x53: {  	_ =	shalt  }
0x54: {  	_ =	shalt  }
0x55: {  	_ =	shalt  }
0x56: {  	_ =	shalt  }
0x57: {  	_ =	shalt  }
0x58: {  	_ =	shalt  }
0x59: {  	_ =	shalt  }
0x5a: {  	_ =	shalt  }
0x5b: {  	_ =	shalt  }
0x5c: {  	_ =	shalt  }
0x5d: {  	_ =	shalt  }
0x5e: {  	_ =	shalt  }
0x5f: {  	_ =	shalt  }
0x60: {  	_ =	shalt  }
0x61: {  	_ =	shalt  }
0x62: {  	_ =	shalt  }
0x63: {  	_ =	shalt  }
0x64: {  	_ =	shalt  }
0x65: {  	_ =	shalt  }
0x66: {  	_ =	shalt  }
0x67: {  	_ =	shalt  }
0x68: {  	_ =	shalt  }
0x69: {  	_ =	shalt  }
0x6a: {  	_ =	shalt  }
0x6b: {  	_ =	shalt  }
0x6c: {  	_ =	shalt  }
0x6d: {  	_ =	shalt  }
0x6e: {  	_ =	shalt  }
0x6f: {  	_ =	shalt  }
0x70: {  	_ =	shalt  }
0x71: {  	_ =	shalt  }
0x72: {  	_ =	shalt  }
0x73: {  	_ =	shalt  }
0x74: {  	_ =	shalt  }
0x75: {  	_ =	shalt  }
0x76: {  	_ =	shalt  }
0x77: {  	_ =	shalt  }
0x78: {  	_ =	shalt  }
0x79: {  	_ =	shalt  }
0x7a: {  	_ =	shalt  }
0x7b: {  	_ =	shalt  }
0x7c: {  	_ =	shalt  }
0x7d: {  	_ =	shalt  }
0x7e: {  	_ =	shalt  }
0x7f: {  	_ =	shalt  }
0x80: {  	_ =	shalt  }
0x81: {  	_ =	shalt  }
0x82: {  	_ =	shalt  }
0x83: {  	_ =	shalt  }
0x84: {  	_ =	shalt  }
0x85: {  	_ =	shalt  }
0x86: {  	_ =	shalt  }
0x87: {  	_ =	shalt  }
.Lfunc_end0:
.L_simem_size_0:
called_computation.1_lowered:
.L_overlay_start_0:
0x88: {  	s2 =	sld [smem:$0x3FD9]  }
0x89: {  	s3 =	sld [smem:$0x3FFE];
	_ =	sdelay $0x1  }
0x8a: {  	s1 =	srdreg.scid  }
0x8b: {  	s0 =	sand.u32 $0x1, s1  }
0x8c: {  	s16 =	sshll.u32 s0, $0xA;
	s2 =	sadd.s32 s3, s2  }
0x8d: {  	s2 =	sadd.s32 s2, s16  }
0x8e: {  	[smem:$0x3FC2] =	sst s2  }
0x8f: {  	_ = 	snop  }
0x90: {  	(tm) =	ssettm $0x1  }
0x91: {  	s17 =	sld [smem:$0x3FFB];
	_ =	sdelay $0x3  }
0x92: {  	_ =	strace s17  }
0x93: {  	s2 =	sld [smem:$0x3FFC];
	_ =	sdelay $0x3  }
0x94: {  	_ =	strace s2  }
0x95: {  	s2 =	sld [smem:$0x3FFD];
	_ =	sdelay $0x3  }
0x96: {  	_ =	strace s2  }
0x97: {  	_ =	strace $0x8FFFFFFF  }
0x98: {  	s18 =	sld [smem:$0x3FDB];
	_ =	sdelay $0x1  }
0x99: {  	s19 =	simm.s32 $_scs_section_size  }
0x9a: {  	s4 =	simm.s32 $_size__tile_overlayer_lowered;
	s5 =	simm.s32 $_tile_overlayer_lowered  }
0x9b: {  	s22 =	simm.s32 $0x1BFF;
	s21 =	sshll.u32 s5, $0x1;
	s2 =	sadd.s32 s19, s18  }
0x9c: {  	s6 =	simm.s32 $0x0;
	s20 =	sshll.u32 s4, $0x1;
	s4 =	sadd.s32 s21, s2  }
0x9d: {  	[timem:s6], [sflag:s22] =	dma.local [hbm:s4], s20  }
0x9e: {  	_ =	swait.ge [sflag:s22], s20  }
0x9f: {  	s3 =	ssub.s32 $0x0, s20;
	[sflag:s22] =	ssyncset.done $0x0  }
0xa0: {  	[sflag:s22] =	ssyncadd.s32 s3;
	_ =	sdelay $0x1  }
0xa1: {  	s23 =	simm.s32 $0x1B8B  }
0xa2: {  	_ =	swait.ge [sflag:s23], $0x1  }
0xa3: {  	[sflag:s23] =	ssyncset.done $0x0  }
0xa4: {  	s25 =	simm.s32 $0x1B8E;
	s24 =	sld [smem:$0x3FFE];
	[sflag:s23] =	ssyncadd.s32 $0xFFFFFFFF  }
0xa5: {  	s26 =	simm.s32 $execute0_lowered;
	[smem:$0x3FD2] =	sst s25  }
0xa6: {  	s4 =	sshll.u32 s26, $0x1;
	_ =	strace $0x80000049;
	[dreg:$0x1] =	wrdreg $0xFFFFFFFF  }
0xa7: {  	s28 =	simm.s32 $_size_execute0_lowered;
	s2 =	sadd.s32 s2, s4;
	[dreg:$0x0] =	wrdreg $0x0  }
0xa8: {  	s4 =	sshll.u32 s28, $0x1;
	[dreg:$0x2] =	wrdreg s2  }
0xa9: {  	[dreg:$0x3] =	wrdreg s4  }
0xaa: {  	[dreg:$0x4] =	wrdreg $0xC0  }
0xab: {  	_ =	task [dreg:s6], $0x5FFFF  }
0xac: {  	[dreg:$0x1] =	wrdreg $0xFFFFFFFF  }
0xad: {  	[dreg:$0x0] =	wrdreg $0x60  }
0xae: {  	[dreg:$0x2] =	wrdreg s24  }
0xaf: {  	[dreg:$0x3] =	wrdreg $0x132400  }
0xb0: {  	[dreg:$0x4] =	wrdreg $0x9  }
0xb1: {  	_ =	task.clear_ibuf [dreg:s6], $0x5FFFF;
	_ =	strace $0x90000049  }
0xb2: {  	s29 =	simm.s32 $0x9;
	_ =	strace $0x8000004B  }
0xb3: {  	_ =	swait.ge [sflag:s29], $0x1  }
0xb4: {  	[sflag:s29] =	ssyncadd.s32 $0xFFFFFFFF  }
0xb5: {  	_ =	strace $0x9000004B  }
0xb6: {  	_ =	sfence  }
0xb7: {  	s30 =	sld [smem:$0x0];
	_ =	sdelay $0x2  }
0xb8: {  	s31 =	sshll.u32 s1, $0xD;
	s1 =	sshrl.u32 s1, $0x2  }
0xb9: {  	s3 =	sand.u32 $0x4000, s31;
	s1 =	sadd.s32 s1, s30  }
0xba: {  	s0 =	sor.u32 s3, s0;
	s1 =	sshll.u32 s1, $0x11  }
0xbb: {  	s0 =	sor.u32 s1, s0  }
0xbc: {  	s0 =	sadd.s32 $0x8F2B, s0  }
0xbd: {  	[sflag:s0] =	ssyncadd.remote.s32 $0x1  }
0xbe: {  	_ =	sfence.sel $0xFFFF  }
0xbf: {  	[dreg:$0x0] =	wrdreg $0xFFFFFFFF;
	(pc) =	sbr.abs _section_cstart, $3  }
0xc0: {  	[dreg:$0x1] =	wrdreg $0xFFFFFFFF  }
0xc1: {  	_ =	task.clear_ibuf [dreg:s6], $0x2FFFF;
	_ =	strace $0x9FFFFFFF  }
0xc2: {  	(tm) =	ssettm $0x7FFFFFFF  }
0xc3: {  	_ =	shalt  }
tec
execute0_lowered:
.L_overlay_start_1:
0x0: {  	(tag) =	ssettag $0x1  }
0x1: {  	s4 =	rddreg [dreg:$0x0];
	s0 =	stileid.u32  }
0x2: {  	s1 =	srdreg.scid;
	s2 =	rddreg [dreg:$0x1]  }
0x3: {  	s3 =	simm.s32 $0x0;
	s14 =	simm.s32 $0xC8;
	s15 =	simm.s32 $0x9C40  }
0x4: {  	s16 =	simm.s32 $0xCE40;
	s17 =	simm.s32 $0x190;
	s18 =	simm.s32 $0x10040  }
0x5: {  	s19 =	simm.s32 $0x1;
	s20 =	simm.s32 $0x2;
	s21 =	simm.s32 $0x9920  }
0x6: {  	s22 =	simm.s32 $0x99E8;
	s23 =	simm.s32 $0x9AB0;
	s24 =	simm.s32 $0x4D58  }
0x7: {  	s25 =	simm.s32 $0x9B78;
	s5 =	sand.u32 $0x1, s1;
	s1 =	rddreg [dreg:$0x2]  }
0x8: {  	s26 =	simm.s32 $0x0;
	s6 =	smul.u32 $0xA000, s0;
	[smem:$0x7FF] =	sst s3  }
0x9: {  	s8 =	smul.u32 $0x9C4, s0;
	s10 =	sadd.s32 $0x66000, s4;
	s30 =	sshll.u32 s0, $0x6  }
0xa: {  	s7 =	smul.u32 $0xA0000, s5;
	_ =	strace $0x8000004A;
	s5 =	ssub.s32 $0x2, s5  }
0xb: {  	s8 =	sadd.s32 s8, s4;
	s29 =	sshrl.u32 s5, $0x1;
	s13 =	sadd.s32 s6, s2  }
0xc: {  	s9 =	sadd.s32 s6, s7;
	s12 =	ssub.s32 s5, s29;
	s5 =	sor.u32 $0x1C03, s30  }
0xd: {  	s31 =	sshrl.u32 s7, $0x3;
	s6 =	sadd.s32 $0x2400, s8;
	s9 =	sshrl.u32 s9, $0x3  }
0xe: {  	s7 =	sadd.s32 $0xC200, s8;
	s8 =	sadd.s32 s10, s31;
	s11 =	sadd.s32 s9, s4  }
0xf: {  	s4 =	sadd.s32 s10, s9;
	s10 =	smax.u32 s12, $0x1;
	s12 =	simm.s32 $0x3  }
0x10: {  	s9 =	sadd.s32 $0x8E000, s11;
	s11 =	sshrl.u32 s13, $0x3;
	s13 =	simm.s32 $0x4E20  }
.LBB2_1:
0x11: {  	[spmem:s11], [sflag:s5] =	dma.local [hbm:s4], $0x1400  }
0x12: {  	_ =	swait.ge [sflag:s12], $0x1400  }
0x13: {  	[sflag:s12] =	ssyncset.done $0x0  }
0x14: {  	[sflag:s12] =	ssyncadd.s32 $0xFFFFEC00  }
0x15: {  	[bflag:$0x0] =	sbarrier.arrive $0xFFFF  }
0x16: {  	[tilespmem:s3], [sflag:$0x3] =	stream.linear.gather [hbm4b:s6+s3], $0x4E20, $0x38;
	[tilespmem:$0x1D240] =	vst v63  }
0x17: {  	_ =	swait.ge [sflag:s12], $0x4E20  }
0x18: {  	[sflag:s12] =	ssyncset.done $0x0  }
0x19: {  	[sflag:s12] =	ssyncadd.s32 $0xFFFFB1E0  }
0x1a: {  	[tilespmem:s13], [sflag:$0x3] =	stream.linear.gather [hbm4b:s7+s3], $0x4E20, $0x38;
	[tilespmem:$0x1D240] =	vst v63  }
0x1b: {  	_ =	swait.ge [sflag:s12], $0x4E20  }
0x1c: {  	[sflag:s12] =	ssyncset.done $0x0  }
0x1d: {  	[sflag:s12] =	ssyncadd.s32 $0xFFFFB1E0  }
0x1e: {  	[tilespmem:s15], [sflag:$0x1] =	stream.indirect.gather [hbm4b:s8+s14], $0x40, s3, s14, $0xb8;
	[tilespmem:$0x1D240] =	vst v63  }
0x1f: {  	_ = 	snop  }
0x20: {  	[tilespmem:s16], [sflag:$0x1] =	stream.indirect.gather [hbm4b:s8+s14], $0x40, s14, s14, $0xb8;
	[tilespmem:$0x1D240] =	vst v63  }
0x21: {  	_ = 	snop  }
0x22: {  	[tilespmem:s18], [sflag:$0x1] =	stream.indirect.gather [hbm4b:s8+s14], $0x40, s17, s14, $0xb8;
	[tilespmem:$0x1D240] =	vst v63  }
0x23: {  	_ =	swait.ge [sflag:s19], $0x3200  }
0x24: {  	[sflag:s19] =	ssyncset.done $0x0  }
0x25: {  	s28 =	simm.s32 $0x4E20;
	[sflag:s19] =	ssyncadd.s32 $0xFFFFCE00  }
0x26: {  	[spmem:s2] =	stream.indirect.scatter.add.f32 [tilespmem:s15], [sflag:$0x2], $0x40, s28, s14, $0xb8;
	[tilespmem:$0x1D240] =	vst v63  }
0x27: {  	_ =	swait.ge [sflag:s19], $0x3200  }
0x28: {  	[sflag:s19] =	ssyncset.done $0x0  }
0x29: {  	s28 =	simm.s32 $0x4EE8;
	[sflag:s19] =	ssyncadd.s32 $0xFFFFCE00  }
0x2a: {  	[spmem:s2] =	stream.indirect.scatter.add.f32 [tilespmem:s16], [sflag:$0x2], $0x40, s28, s14, $0xb8;
	[tilespmem:$0x1D240] =	vst v63  }
0x2b: {  	_ =	swait.ge [sflag:s19], $0x3200  }
0x2c: {  	[sflag:s19] =	ssyncset.done $0x0  }
0x2d: {  	s28 =	simm.s32 $0x4FB0;
	[sflag:s19] =	ssyncadd.s32 $0xFFFFCE00  }
0x2e: {  	[spmem:s2] =	stream.indirect.scatter.add.f32 [tilespmem:s18], [sflag:$0x2], $0x40, s28, s14, $0xb8;
	[tilespmem:$0x1D240] =	vst v63  }
0x2f: {  	_ =	swait.ge [sflag:s20], $0x3200  }
0x30: {  	[sflag:s20] =	ssyncset.done $0x0  }
0x31: {  	s28 =	simm.s32 $0x258;
	[sflag:s20] =	ssyncadd.s32 $0xFFFFCE00  }
0x32: {  	[tilespmem:s15], [sflag:$0x1] =	stream.indirect.gather [hbm4b:s8+s14], $0x40, s28, s14, $0xb8;
	[tilespmem:$0x1D240] =	vst v63  }
0x33: {  	_ =	swait.ge [sflag:s20], $0x3200  }
0x34: {  	[sflag:s20] =	ssyncset.done $0x0  }
0x35: {  	s28 =	simm.s32 $0x320;
	[sflag:s20] =	ssyncadd.s32 $0xFFFFCE00  }
0x36: {  	[tilespmem:s16], [sflag:$0x1] =	stream.indirect.gather [hbm4b:s8+s14], $0x40, s28, s14, $0xb8;
	[tilespmem:$0x1D240] =	vst v63  }
0x37: {  	_ =	swait.ge [sflag:s20], $0x3200  }
0x38: {  	[sflag:s20] =	ssyncset.done $0x0  }
0x39: {  	s29 =	simm.s32 $0x3E8;
	s28 =	simm.s32 $0x960;
	[sflag:s20] =	ssyncadd.s32 $0xFFFFCE00  }
.LBB2_2:
0x3a: {  	[tilespmem:s18], [sflag:$0x1] =	stream.indirect.gather [hbm4b:s8+s14], $0x40, s29, s14, $0xb8;
	[tilespmem:$0x1D240] =	vst v63  }
0x3b: {  	s29 =	smov.u32 s28  }
0x3c: {  	p0 =	sne.s32 s28, $0x122A0;
	s28 =	sadd.s32 $0x960, s28;
	_ =	swait.ge [sflag:s19], $0x3200  }
0x3d: {  	s29 =	sshra.s32 s29, $0x2;
	[sflag:s19] =	ssyncset.done $0x0  }
0x3e: {  	s30 =	sadd.s32 $0x4E20, s29;
	[sflag:s19] =	ssyncadd.s32 $0xFFFFCE00  }
0x3f: {  	[spmem:s2] =	stream.indirect.scatter.add.f32 [tilespmem:s15], [sflag:$0x2], $0x40, s30, s14, $0xb8;
	[tilespmem:$0x1D240] =	vst v63  }
0x40: {  	_ =	swait.ge [sflag:s19], $0x3200  }
0x41: {  	[sflag:s19] =	ssyncset.done $0x0  }
0x42: {  	s30 =	sadd.s32 $0x4EE8, s29;
	[sflag:s19] =	ssyncadd.s32 $0xFFFFCE00  }
0x43: {  	[spmem:s2] =	stream.indirect.scatter.add.f32 [tilespmem:s16], [sflag:$0x2], $0x40, s30, s14, $0xb8;
	[tilespmem:$0x1D240] =	vst v63  }
0x44: {  	_ =	swait.ge [sflag:s19], $0x3200  }
0x45: {  	[sflag:s19] =	ssyncset.done $0x0  }
0x46: {  	s30 =	sadd.s32 $0x4FB0, s29;
	[sflag:s19] =	ssyncadd.s32 $0xFFFFCE00  }
0x47: {  	[spmem:s2] =	stream.indirect.scatter.add.f32 [tilespmem:s18], [sflag:$0x2], $0x40, s30, s14, $0xb8;
	[tilespmem:$0x1D240] =	vst v63  }
0x48: {  	_ =	swait.ge [sflag:s20], $0x3200  }
0x49: {  	[sflag:s20] =	ssyncset.done $0x0  }
0x4a: {  	s30 =	sadd.s32 $0x258, s29;
	[sflag:s20] =	ssyncadd.s32 $0xFFFFCE00  }
0x4b: {  	[tilespmem:s15], [sflag:$0x1] =	stream.indirect.gather [hbm4b:s8+s14], $0x40, s30, s14, $0xb8;
	[tilespmem:$0x1D240] =	vst v63  }
0x4c: {  	_ =	swait.ge [sflag:s20], $0x3200  }
0x4d: {  	[sflag:s20] =	ssyncset.done $0x0  }
.Ltmp0:
0x4e: {  	s30 =	sadd.s32 $0x320, s29;
	[sflag:s20] =	ssyncadd.s32 $0xFFFFCE00;
	(pc) =	sbr.rel @p0 .LBB2_2-.Ltmp0, $4  }
0x4f: {  	[tilespmem:s16], [sflag:$0x1] =	stream.indirect.gather [hbm4b:s8+s14], $0x40, s30, s14, $0xb8;
	[tilespmem:$0x1D240] =	vst v63  }
0x50: {  	_ =	swait.ge [sflag:s20], $0x3200  }
0x51: {  	[sflag:s20] =	ssyncset.done $0x0  }
0x52: {  	s29 =	sadd.s32 $0x3E8, s29;
	[sflag:s20] =	ssyncadd.s32 $0xFFFFCE00  }
0x53: {  	[tilespmem:s18], [sflag:$0x1] =	stream.indirect.gather [hbm4b:s8+s14], $0x40, s29, s14, $0xb8;
	[tilespmem:$0x1D240] =	vst v63  }
0x54: {  	_ =	swait.ge [sflag:s19], $0x3200  }
0x55: {  	[sflag:s19] =	ssyncset.done $0x0  }
0x56: {  	[sflag:s19] =	ssyncadd.s32 $0xFFFFCE00  }
0x57: {  	[spmem:s2] =	stream.indirect.scatter.add.f32 [tilespmem:s15], [sflag:$0x2], $0x40, s21, s14, $0xb8;
	[tilespmem:$0x1D240] =	vst v63  }
0x58: {  	_ =	swait.ge [sflag:s19], $0x3200  }
0x59: {  	[sflag:s19] =	ssyncset.done $0x0  }
0x5a: {  	[sflag:s19] =	ssyncadd.s32 $0xFFFFCE00  }
0x5b: {  	[spmem:s2] =	stream.indirect.scatter.add.f32 [tilespmem:s16], [sflag:$0x2], $0x40, s22, s14, $0xb8;
	[tilespmem:$0x1D240] =	vst v63  }
0x5c: {  	_ =	swait.ge [sflag:s19], $0x3200  }
0x5d: {  	[sflag:s19] =	ssyncset.done $0x0  }
0x5e: {  	[sflag:s19] =	ssyncadd.s32 $0xFFFFCE00  }
0x5f: {  	[spmem:s2] =	stream.indirect.scatter.add.f32 [tilespmem:s18], [sflag:$0x2], $0x40, s23, s14, $0xb8;
	[tilespmem:$0x1D240] =	vst v63  }
0x60: {  	_ =	swait.ge [sflag:s20], $0x3200  }
0x61: {  	[sflag:s20] =	ssyncset.done $0x0  }
0x62: {  	[sflag:s20] =	ssyncadd.s32 $0xFFFFCE00  }
0x63: {  	[tilespmem:s15], [sflag:$0x1] =	stream.indirect.gather [hbm4b:s8+s14], $0x40, s24, s14, $0xb8;
	[tilespmem:$0x1D240] =	vst v63  }
0x64: {  	_ =	swait.ge [sflag:s20], $0x3200  }
0x65: {  	[sflag:s20] =	ssyncset.done $0x0  }
0x66: {  	[sflag:s20] =	ssyncadd.s32 $0xFFFFCE00  }
0x67: {  	[tilespmem:s16], [sflag:$0x1] =	stream.indirect.gather [hbm4b:s8+s14], $0x40, s24, s14, $0xb8;
	[tilespmem:$0x1D240] =	vst v63  }
0x68: {  	_ =	swait.ge [sflag:s20], $0x3200  }
0x69: {  	[sflag:s20] =	ssyncset.done $0x0  }
0x6a: {  	[sflag:s20] =	ssyncadd.s32 $0xFFFFCE00  }
0x6b: {  	[tilespmem:s18], [sflag:$0x1] =	stream.indirect.gather [hbm4b:s8+s14], $0x40, s24, s14, $0xb8;
	[tilespmem:$0x1D240] =	vst v63  }
0x6c: {  	_ =	swait.ge [sflag:s19], $0x3200  }
0x6d: {  	[sflag:s19] =	ssyncset.done $0x0  }
0x6e: {  	[sflag:s19] =	ssyncadd.s32 $0xFFFFCE00  }
0x6f: {  	[spmem:s2] =	stream.indirect.scatter.add.f32 [tilespmem:s15], [sflag:$0x2], $0x40, s25, s14, $0xb8;
	[tilespmem:$0x1D240] =	vst v63  }
0x70: {  	_ =	swait.ge [sflag:s19], $0x3200  }
0x71: {  	[sflag:s19] =	ssyncset.done $0x0  }
0x72: {  	[sflag:s19] =	ssyncadd.s32 $0xFFFFCE00  }
0x73: {  	_ =	swait.ge [sflag:s19], $0x3200  }
0x74: {  	[sflag:s19] =	ssyncset.done $0x0  }
0x75: {  	[sflag:s19] =	ssyncadd.s32 $0xFFFFCE00  }
0x76: {  	_ =	swait.ge [sflag:s20], $0x3200  }
0x77: {  	s26 =	sadd.s32 $0x1, s26;
	[sflag:s20] =	ssyncset.done $0x0  }
0x78: {  	p0 =	sne.s32 s26, s10;
	[sflag:s20] =	ssyncadd.s32 $0xFFFFCE00  }
.Ltmp1:
0x79: {  	[bflag:$0x0] =	sbarrier.arrive $0xFFFF;
	(pc) =	sbr.rel @p0 .LBB2_1-.Ltmp1, $4  }
0x7a: {  	[hbm:s9], [sflag:s5] =	dma.local [spmem:s11], $0x1400  }
0x7b: {  	_ =	swait.ge [sflag:s12], $0x1400  }
0x7c: {  	[sflag:s12] =	ssyncset.done $0x0  }
0x7d: {  	[sflag:s12] =	ssyncadd.s32 $0xFFFFEC00  }
0x7e: {  	_ =	sfence.sel $0x180000  }
0x7f: {  	[bflag:$0x0] =	sbarrier.arrive $0xFFFF  }
0x80: {  	p0 =	sne.s32 s0, $0x0;
	_ =	strace $0x9000004A  }
0x81: {  	s0 =	sadd.s32 @!p0 $0x100000, s1;
	[bflag:$0x2] =	sbarrier.arrive $0xFFFF  }
0x82: {  	[sflag:s0] =	ssyncadd.tile.s32 @!p0 $0x1;
	_ =	shalt  }
.Lfunc_end2:
_tile_overlayer_lowered:
.L_overlay_start_2:
0x83: {  	(tag) =	ssettag $0x2  }
0x84: {  	s0 =	rddreg [dreg:$0x0];
	s2 =	stileid.u32  }
0x85: {  	s1 =	rddreg [dreg:$0x1];
	p0 =	sne.s32 s2, $0x0  }
0x86: {  	s3 =	rddreg [dreg:$0x2];
	[bflag:$0x3] =	sbarrier.arrive $0xFFFF;
	s2 =	simm.s32 @!p0 $0x1C03  }
0x87: {  	[timem:s3], [sflag:s2] =	dma.local @!p0 [hbm:s0], s1  }
0x88: {  	s0 =	simm.s32 @!p0 $0x3  }
0x89: {  	_ =	swait.ge @!p0 [sflag:s0], s1  }
0x8a: {  	s1 =	ssub.s32 @!p0 $0x0, s1;
	[sflag:s0] =	ssyncset.done @!p0 $0x0  }
0x8b: {  	[sflag:s0] =	ssyncadd.s32 @!p0 s1  }
0x8c: {  	[bflag:$0x3] =	sbarrier.arrive $0xFFFF  }
0x8d: {  	_ =	shalt  }

// kernel: kernel.14.cloned.1.call-start
scs
__scs_entry_jumppad:
0x0: {  	(pc) =	sbr.rel $0x88, $3  }
0x1: {  	(tag) =	ssettag $0x0;
	lr =	simm.s32 $0x1  }
0x2: {  	[smem:$0x3F9B] =	sst lr;
	_ =	strace $0xD0000000  }
0x3: {  	_ = 	snop  }
0x4: {  	_ = 	snop  }
0x5: {  	_ = 	snop  }
0x6: {  	_ = 	snop  }
0x7: {  	_ = 	snop  }
__scs_overlays_trampoline_lowered:
0x8: {  	[smem:$0x3FAA] =	sst s0  }
0x9: {  	[smem:$0x3FAB] =	sst s1  }
0xa: {  	[smem:$0x3FAC] =	sst s2  }
0xb: {  	[smem:$0x3FAD] =	sst s3  }
0xc: {  	[smem:$0x3FAE] =	sst s4  }
0xd: {  	[smem:$0x3FAF] =	sst s5  }
0xe: {  	[smem:$0x3FB0] =	sst s6  }
0xf: {  	[smem:$0x3FB1] =	sst s7  }
0x10: {  	[smem:$0x3FB2] =	sst s8  }
0x11: {  	[smem:$0x3FB3] =	sst s9;
	s0 =	simm.s32 @!p0 $0x0  }
0x12: {  	s1 =	sld [smem:$0x3F99];
	s0 =	simm.s32 @p0 $0x1  }
0x13: {  	[smem:$0x3FB4] =	sst s0;
	s0 =	simm.s32 @!p1 $0x0  }
0x14: {  	s2 =	sld [smem:$0x3F98];
	s0 =	simm.s32 @p1 $0x1  }
0x15: {  	[smem:$0x3FB5] =	sst s0;
	s0 =	simm.s32 @!p2 $0x0  }
0x16: {  	s3 =	sld [smem:$0x3FDB];
	s0 =	simm.s32 @p2 $0x1  }
0x17: {  	s4 =	simm.s32 $0x1BF5;
	[smem:$0x3FB7] =	sst s0  }
0x18: {  	s0 =	sld [smem:$0x3F9A];
	_ =	swait.ge [sflag:s4], $0x0  }
0x19: {  	s7 =	sld [smem:$0x3F9B]  }
0x1a: {  	s8 =	sadd.s32 $0xFFFFE003, lr  }
0x1b: {  	s9 =	sadd.s32 $0xFFFFFEF7, lr;
	s5 =	simm.s32 $0xFFFFFFFF;
	p2 =	slt.u32 s8, $0xFFFFF086  }
0x1c: {  	p1 =	slt.u32 s9, $0xF7A;
	s5 =	simm.s32 @!p2 $0x0  }
0x1d: {  	s5 =	simm.s32 @p1 $0x1;
	p0 =	seq.s32 s7, s2  }
0x1e: {  	s7 =	smul.u32 @!p0 $0xF7A, s2;
	p2 =	seq.s32 @!p0 s5, $0x0  }
0x1f: {  	s9 =	smul.u32 $0xF7A, s1;
	s8 =	simm.s32 @!p0 $0x1BF5;
	p2 =	por !p2, p0  }
0x20: {  	[sflag:s8] =	ssyncset.s32 @!p0 $0xFFFFF086;
	s6 =	sadd.s32 @!p0 s3, s7;
	s7 =	simm.s32 @!p0 $0x108  }
0x21: {  	s3 =	sadd.s32 s3, s9;
	s6 =	sadd.s32 @!p0 $0x88, s6;
	s7 =	simm.s32 @p2 $0x1082  }
0x22: {  	[simem:s7], [sflag:s8] =	dma.local @!p0 [hbm:s6], $0xF7A  }
0x23: {  	s9 =	sor.u32 $0xD0000000, s2;
	s6 =	simm.s32 $0x108;
	_ =	swait.ge @!p0 [sflag:s8], $0x0  }
0x24: {  	s3 =	sadd.s32 $0x88, s3;
	s6 =	simm.s32 @!p1 $0x1082;
	[sflag:s4] =	ssyncset.s32 $0xFFFFF086  }
0x25: {  	[simem:s6], [sflag:s4] =	dma.local [hbm:s3], $0xF7A  }
0x26: {  	[smem:$0x3F9B] =	sst s1;
	(tag) =	ssettag s2;
	_ =	strace s9  }
0x27: {  	s1 =	sld [smem:$0x3FAB]  }
0x28: {  	s2 =	sld [smem:$0x3FAC]  }
0x29: {  	s4 =	sld [smem:$0x3FAE]  }
0x2a: {  	p0 =	seq.s32 s5, $0x0;
	s5 =	sld [smem:$0x3FAF]  }
0x2b: {  	s6 =	sld [smem:$0x3FB0]  }
0x2c: {  	s7 =	sld [smem:$0x3FB1]  }
0x2d: {  	s3 =	simm.s32 $0x108;
	s8 =	sld [smem:$0x3FB2]  }
0x2e: {  	s3 =	simm.s32 @!p0 $0x1082;
	s9 =	sld [smem:$0x3FB3]  }
0x2f: {  	lr =	sadd.s32 s0, s3;
	s0 =	sld [smem:$0x3FAA]  }
0x30: {  	s3 =	sld [smem:$0x3FAD]  }
0x31: {  	[smem:$0x3FB6] =	sst s10  }
0x32: {  	s10 =	sld [smem:$0x3FB4];
	_ =	sdelay $0x3  }
0x33: {  	p0 =	seq.s32 s10, $0x1;
	s10 =	sld [smem:$0x3FB6];
	_ =	sdelay $0x3  }
0x34: {  	[smem:$0x3FB6] =	sst s10  }
0x35: {  	s10 =	sld [smem:$0x3FB5];
	_ =	sdelay $0x3  }
0x36: {  	p1 =	seq.s32 s10, $0x1;
	s10 =	sld [smem:$0x3FB6];
	_ =	sdelay $0x3  }
0x37: {  	[smem:$0x3FB6] =	sst s10  }
0x38: {  	s10 =	sld [smem:$0x3FB7]  }
0x39: {  	_ = 	snop;
	(pc) =	sbr.ind lr, $3  }
0x3a: {  	_ = 	snop  }
0x3b: {  	_ = 	snop  }
0x3c: {  	p2 =	seq.s32 s10, $0x1;
	s10 =	sld [smem:$0x3FB6]  }
0x3d: {  	_ =	shalt  }
0x3e: {  	_ =	shalt  }
0x3f: {  	_ =	shalt  }
0x40: {  	_ =	shalt  }
0x41: {  	_ =	shalt  }
0x42: {  	_ =	shalt  }
0x43: {  	_ =	shalt  }
0x44: {  	_ =	shalt  }
0x45: {  	_ =	shalt  }
0x46: {  	_ =	shalt  }
0x47: {  	_ =	shalt  }
0x48: {  	_ =	shalt  }
0x49: {  	_ =	shalt  }
0x4a: {  	_ =	shalt  }
0x4b: {  	_ =	shalt  }
0x4c: {  	_ =	shalt  }
0x4d: {  	_ =	shalt  }
0x4e: {  	_ =	shalt  }
0x4f: {  	_ =	shalt  }
0x50: {  	_ =	shalt  }
0x51: {  	_ =	shalt  }
0x52: {  	_ =	shalt  }
0x53: {  	_ =	shalt  }
0x54: {  	_ =	shalt  }
0x55: {  	_ =	shalt  }
0x56: {  	_ =	shalt  }
0x57: {  	_ =	shalt  }
0x58: {  	_ =	shalt  }
0x59: {  	_ =	shalt  }
0x5a: {  	_ =	shalt  }
0x5b: {  	_ =	shalt  }
0x5c: {  	_ =	shalt  }
0x5d: {  	_ =	shalt  }
0x5e: {  	_ =	shalt  }
0x5f: {  	_ =	shalt  }
0x60: {  	_ =	shalt  }
0x61: {  	_ =	shalt  }
0x62: {  	_ =	shalt  }
0x63: {  	_ =	shalt  }
0x64: {  	_ =	shalt  }
0x65: {  	_ =	shalt  }
0x66: {  	_ =	shalt  }
0x67: {  	_ =	shalt  }
0x68: {  	_ =	shalt  }
0x69: {  	_ =	shalt  }
0x6a: {  	_ =	shalt  }
0x6b: {  	_ =	shalt  }
0x6c: {  	_ =	shalt  }
0x6d: {  	_ =	shalt  }
0x6e: {  	_ =	shalt  }
0x6f: {  	_ =	shalt  }
0x70: {  	_ =	shalt  }
0x71: {  	_ =	shalt  }
0x72: {  	_ =	shalt  }
0x73: {  	_ =	shalt  }
0x74: {  	_ =	shalt  }
0x75: {  	_ =	shalt  }
0x76: {  	_ =	shalt  }
0x77: {  	_ =	shalt  }
0x78: {  	_ =	shalt  }
0x79: {  	_ =	shalt  }
0x7a: {  	_ =	shalt  }
0x7b: {  	_ =	shalt  }
0x7c: {  	_ =	shalt  }
0x7d: {  	_ =	shalt  }
0x7e: {  	_ =	shalt  }
0x7f: {  	_ =	shalt  }
0x80: {  	_ =	shalt  }
0x81: {  	_ =	shalt  }
0x82: {  	_ =	shalt  }
0x83: {  	_ =	shalt  }
0x84: {  	_ =	shalt  }
0x85: {  	_ =	shalt  }
0x86: {  	_ =	shalt  }
0x87: {  	_ =	shalt  }
.Lfunc_end0:
.L_simem_size_0:
called_computation.2_lowered:
.L_overlay_start_0:
0x88: {  	s2 =	sld [smem:$0x3FD9]  }
0x89: {  	s3 =	sld [smem:$0x3FFE];
	_ =	sdelay $0x1  }
0x8a: {  	s1 =	srdreg.scid  }
0x8b: {  	s0 =	sand.u32 $0x1, s1  }
0x8c: {  	s16 =	sshll.u32 s0, $0xA;
	s2 =	sadd.s32 s3, s2  }
0x8d: {  	s2 =	sadd.s32 s2, s16  }
0x8e: {  	[smem:$0x3FC2] =	sst s2  }
0x8f: {  	_ = 	snop  }
0x90: {  	(tm) =	ssettm $0x1  }
0x91: {  	s17 =	sld [smem:$0x3FFB];
	_ =	sdelay $0x3  }
0x92: {  	_ =	strace s17  }
0x93: {  	s2 =	sld [smem:$0x3FFC];
	_ =	sdelay $0x3  }
0x94: {  	_ =	strace s2  }
0x95: {  	s2 =	sld [smem:$0x3FFD];
	_ =	sdelay $0x3  }
0x96: {  	_ =	strace s2  }
0x97: {  	_ =	strace $0x8FFFFFFF  }
0x98: {  	s18 =	sld [smem:$0x3FDB];
	_ =	sdelay $0x1  }
0x99: {  	s19 =	simm.s32 $_scs_section_size  }
0x9a: {  	s4 =	simm.s32 $_size__tile_overlayer_lowered;
	s5 =	simm.s32 $_tile_overlayer_lowered  }
0x9b: {  	s22 =	simm.s32 $0x1BFF;
	s21 =	sshll.u32 s5, $0x1;
	s2 =	sadd.s32 s19, s18  }
0x9c: {  	s6 =	simm.s32 $0x0;
	s20 =	sshll.u32 s4, $0x1;
	s4 =	sadd.s32 s21, s2  }
0x9d: {  	[timem:s6], [sflag:s22] =	dma.local [hbm:s4], s20  }
0x9e: {  	_ =	swait.ge [sflag:s22], s20  }
0x9f: {  	s3 =	ssub.s32 $0x0, s20;
	[sflag:s22] =	ssyncset.done $0x0  }
0xa0: {  	[sflag:s22] =	ssyncadd.s32 s3;
	_ =	sdelay $0x1  }
0xa1: {  	s23 =	simm.s32 $0x1B8B  }
0xa2: {  	_ =	swait.ge [sflag:s23], $0x1  }
0xa3: {  	[sflag:s23] =	ssyncset.done $0x0  }
0xa4: {  	s25 =	simm.s32 $0x1B8E;
	s24 =	sld [smem:$0x3FFE];
	[sflag:s23] =	ssyncadd.s32 $0xFFFFFFFF  }
0xa5: {  	s26 =	simm.s32 $execute0_lowered;
	[smem:$0x3FD2] =	sst s25  }
0xa6: {  	s4 =	sshll.u32 s26, $0x1;
	_ =	strace $0x8000004C;
	[dreg:$0x1] =	wrdreg $0xFFFFFFFF  }
0xa7: {  	s28 =	simm.s32 $_size_execute0_lowered;
	s2 =	sadd.s32 s2, s4;
	[dreg:$0x0] =	wrdreg $0x0  }
0xa8: {  	s4 =	sshll.u32 s28, $0x1;
	[dreg:$0x2] =	wrdreg s2  }
0xa9: {  	[dreg:$0x3] =	wrdreg s4  }
0xaa: {  	[dreg:$0x4] =	wrdreg $0xC0  }
0xab: {  	_ =	task [dreg:s6], $0x5FFFF  }
0xac: {  	[dreg:$0x1] =	wrdreg $0xFFFFFFFF  }
0xad: {  	[dreg:$0x0] =	wrdreg $0x60  }
0xae: {  	[dreg:$0x2] =	wrdreg s24  }
0xaf: {  	[dreg:$0x3] =	wrdreg $0x132400  }
0xb0: {  	[dreg:$0x4] =	wrdreg $0x9  }
0xb1: {  	_ =	task.clear_ibuf [dreg:s6], $0x5FFFF;
	_ =	strace $0x9000004C  }
0xb2: {  	s29 =	simm.s32 $0x9;
	_ =	strace $0x8000004E  }
0xb3: {  	_ =	swait.ge [sflag:s29], $0x1  }
0xb4: {  	[sflag:s29] =	ssyncadd.s32 $0xFFFFFFFF  }
0xb5: {  	_ =	strace $0x9000004E  }
0xb6: {  	_ =	sfence  }
0xb7: {  	s30 =	sld [smem:$0x0];
	_ =	sdelay $0x2  }
0xb8: {  	s31 =	sshll.u32 s1, $0xD;
	s1 =	sshrl.u32 s1, $0x2  }
0xb9: {  	s3 =	sand.u32 $0x4000, s31;
	s1 =	sadd.s32 s1, s30  }
0xba: {  	s0 =	sor.u32 s3, s0;
	s1 =	sshll.u32 s1, $0x11  }
0xbb: {  	s0 =	sor.u32 s1, s0  }
0xbc: {  	s0 =	sadd.s32 $0x8F2B, s0  }
0xbd: {  	[sflag:s0] =	ssyncadd.remote.s32 $0x1  }
0xbe: {  	_ =	sfence.sel $0xFFFF  }
0xbf: {  	[dreg:$0x0] =	wrdreg $0xFFFFFFFF;
	(pc) =	sbr.abs _section_cstart, $3  }
0xc0: {  	[dreg:$0x1] =	wrdreg $0xFFFFFFFF  }
0xc1: {  	_ =	task.clear_ibuf [dreg:s6], $0x2FFFF;
	_ =	strace $0x9FFFFFFF  }
0xc2: {  	(tm) =	ssettm $0x7FFFFFFF  }
0xc3: {  	_ =	shalt  }
tec
execute0_lowered:
.L_overlay_start_1:
0x0: {  	(tag) =	ssettag $0x1  }
0x1: {  	s4 =	rddreg [dreg:$0x0];
	s0 =	stileid.u32  }
0x2: {  	s1 =	srdreg.scid;
	s2 =	rddreg [dreg:$0x1]  }
0x3: {  	s3 =	simm.s32 $0x0;
	s14 =	simm.s32 $0xC8;
	s15 =	simm.s32 $0x9C40  }
0x4: {  	s16 =	simm.s32 $0xCE40;
	s17 =	simm.s32 $0x190;
	s18 =	simm.s32 $0x10040  }
0x5: {  	s19 =	simm.s32 $0x1;
	s20 =	simm.s32 $0x2;
	s21 =	simm.s32 $0x9920  }
0x6: {  	s22 =	simm.s32 $0x99E8;
	s23 =	simm.s32 $0x9AB0;
	s24 =	simm.s32 $0x4D58  }
0x7: {  	s25 =	simm.s32 $0x9B78;
	s5 =	sand.u32 $0x1, s1;
	s1 =	rddreg [dreg:$0x2]  }
0x8: {  	s26 =	simm.s32 $0x0;
	s6 =	smul.u32 $0xA000, s0;
	[smem:$0x7FF] =	sst s3  }
0x9: {  	s8 =	smul.u32 $0x9C4, s0;
	s10 =	sadd.s32 $0x16000, s4;
	s30 =	sshll.u32 s0, $0x6  }
0xa: {  	s7 =	smul.u32 $0xA0000, s5;
	_ =	strace $0x8000004D;
	s5 =	ssub.s32 $0x2, s5  }
0xb: {  	s8 =	sadd.s32 s8, s4;
	s29 =	sshrl.u32 s5, $0x1;
	s13 =	sadd.s32 s6, s2  }
0xc: {  	s9 =	sadd.s32 s6, s7;
	s12 =	ssub.s32 s5, s29;
	s5 =	sor.u32 $0x1C03, s30  }
0xd: {  	s31 =	sshrl.u32 s7, $0x3;
	s6 =	sadd.s32 $0x2400, s8;
	s9 =	sshrl.u32 s9, $0x3  }
0xe: {  	s7 =	sadd.s32 $0xC200, s8;
	s8 =	sadd.s32 s10, s31;
	s11 =	sadd.s32 s9, s4  }
0xf: {  	s4 =	sadd.s32 s10, s9;
	s10 =	smax.u32 s12, $0x1;
	s12 =	simm.s32 $0x3  }
0x10: {  	s9 =	sadd.s32 $0x3E000, s11;
	s11 =	sshrl.u32 s13, $0x3;
	s13 =	simm.s32 $0x4E20  }
.LBB2_1:
0x11: {  	[spmem:s11], [sflag:s5] =	dma.local [hbm:s4], $0x1400  }
0x12: {  	_ =	swait.ge [sflag:s12], $0x1400  }
0x13: {  	[sflag:s12] =	ssyncset.done $0x0  }
0x14: {  	[sflag:s12] =	ssyncadd.s32 $0xFFFFEC00  }
0x15: {  	[bflag:$0x0] =	sbarrier.arrive $0xFFFF  }
0x16: {  	[tilespmem:s3], [sflag:$0x3] =	stream.linear.gather [hbm4b:s6+s3], $0x4E20, $0x38;
	[tilespmem:$0x1D240] =	vst v63  }
0x17: {  	_ =	swait.ge [sflag:s12], $0x4E20  }
0x18: {  	[sflag:s12] =	ssyncset.done $0x0  }
0x19: {  	[sflag:s12] =	ssyncadd.s32 $0xFFFFB1E0  }
0x1a: {  	[tilespmem:s13], [sflag:$0x3] =	stream.linear.gather [hbm4b:s7+s3], $0x4E20, $0x38;
	[tilespmem:$0x1D240] =	vst v63  }
0x1b: {  	_ =	swait.ge [sflag:s12], $0x4E20  }
0x1c: {  	[sflag:s12] =	ssyncset.done $0x0  }
0x1d: {  	[sflag:s12] =	ssyncadd.s32 $0xFFFFB1E0  }
0x1e: {  	[tilespmem:s15], [sflag:$0x1] =	stream.indirect.gather [hbm4b:s8+s14], $0x40, s3, s14, $0xb8;
	[tilespmem:$0x1D240] =	vst v63  }
0x1f: {  	_ = 	snop  }
0x20: {  	[tilespmem:s16], [sflag:$0x1] =	stream.indirect.gather [hbm4b:s8+s14], $0x40, s14, s14, $0xb8;
	[tilespmem:$0x1D240] =	vst v63  }
0x21: {  	_ = 	snop  }
0x22: {  	[tilespmem:s18], [sflag:$0x1] =	stream.indirect.gather [hbm4b:s8+s14], $0x40, s17, s14, $0xb8;
	[tilespmem:$0x1D240] =	vst v63  }
0x23: {  	_ =	swait.ge [sflag:s19], $0x3200  }
0x24: {  	[sflag:s19] =	ssyncset.done $0x0  }
0x25: {  	s28 =	simm.s32 $0x4E20;
	[sflag:s19] =	ssyncadd.s32 $0xFFFFCE00  }
0x26: {  	[spmem:s2] =	stream.indirect.scatter.add.f32 [tilespmem:s15], [sflag:$0x2], $0x40, s28, s14, $0xb8;
	[tilespmem:$0x1D240] =	vst v63  }
0x27: {  	_ =	swait.ge [sflag:s19], $0x3200  }
0x28: {  	[sflag:s19] =	ssyncset.done $0x0  }
0x29: {  	s28 =	simm.s32 $0x4EE8;
	[sflag:s19] =	ssyncadd.s32 $0xFFFFCE00  }
0x2a: {  	[spmem:s2] =	stream.indirect.scatter.add.f32 [tilespmem:s16], [sflag:$0x2], $0x40, s28, s14, $0xb8;
	[tilespmem:$0x1D240] =	vst v63  }
0x2b: {  	_ =	swait.ge [sflag:s19], $0x3200  }
0x2c: {  	[sflag:s19] =	ssyncset.done $0x0  }
0x2d: {  	s28 =	simm.s32 $0x4FB0;
	[sflag:s19] =	ssyncadd.s32 $0xFFFFCE00  }
0x2e: {  	[spmem:s2] =	stream.indirect.scatter.add.f32 [tilespmem:s18], [sflag:$0x2], $0x40, s28, s14, $0xb8;
	[tilespmem:$0x1D240] =	vst v63  }
0x2f: {  	_ =	swait.ge [sflag:s20], $0x3200  }
0x30: {  	[sflag:s20] =	ssyncset.done $0x0  }
0x31: {  	s28 =	simm.s32 $0x258;
	[sflag:s20] =	ssyncadd.s32 $0xFFFFCE00  }
0x32: {  	[tilespmem:s15], [sflag:$0x1] =	stream.indirect.gather [hbm4b:s8+s14], $0x40, s28, s14, $0xb8;
	[tilespmem:$0x1D240] =	vst v63  }
0x33: {  	_ =	swait.ge [sflag:s20], $0x3200  }
0x34: {  	[sflag:s20] =	ssyncset.done $0x0  }
0x35: {  	s28 =	simm.s32 $0x320;
	[sflag:s20] =	ssyncadd.s32 $0xFFFFCE00  }
0x36: {  	[tilespmem:s16], [sflag:$0x1] =	stream.indirect.gather [hbm4b:s8+s14], $0x40, s28, s14, $0xb8;
	[tilespmem:$0x1D240] =	vst v63  }
0x37: {  	_ =	swait.ge [sflag:s20], $0x3200  }
0x38: {  	[sflag:s20] =	ssyncset.done $0x0  }
0x39: {  	s29 =	simm.s32 $0x3E8;
	s28 =	simm.s32 $0x960;
	[sflag:s20] =	ssyncadd.s32 $0xFFFFCE00  }
.LBB2_2:
0x3a: {  	[tilespmem:s18], [sflag:$0x1] =	stream.indirect.gather [hbm4b:s8+s14], $0x40, s29, s14, $0xb8;
	[tilespmem:$0x1D240] =	vst v63  }
0x3b: {  	s29 =	smov.u32 s28  }
0x3c: {  	p0 =	sne.s32 s28, $0x122A0;
	s28 =	sadd.s32 $0x960, s28;
	_ =	swait.ge [sflag:s19], $0x3200  }
0x3d: {  	s29 =	sshra.s32 s29, $0x2;
	[sflag:s19] =	ssyncset.done $0x0  }
0x3e: {  	s30 =	sadd.s32 $0x4E20, s29;
	[sflag:s19] =	ssyncadd.s32 $0xFFFFCE00  }
0x3f: {  	[spmem:s2] =	stream.indirect.scatter.add.f32 [tilespmem:s15], [sflag:$0x2], $0x40, s30, s14, $0xb8;
	[tilespmem:$0x1D240] =	vst v63  }
0x40: {  	_ =	swait.ge [sflag:s19], $0x3200  }
0x41: {  	[sflag:s19] =	ssyncset.done $0x0  }
0x42: {  	s30 =	sadd.s32 $0x4EE8, s29;
	[sflag:s19] =	ssyncadd.s32 $0xFFFFCE00  }
0x43: {  	[spmem:s2] =	stream.indirect.scatter.add.f32 [tilespmem:s16], [sflag:$0x2], $0x40, s30, s14, $0xb8;
	[tilespmem:$0x1D240] =	vst v63  }
0x44: {  	_ =	swait.ge [sflag:s19], $0x3200  }
0x45: {  	[sflag:s19] =	ssyncset.done $0x0  }
0x46: {  	s30 =	sadd.s32 $0x4FB0, s29;
	[sflag:s19] =	ssyncadd.s32 $0xFFFFCE00  }
0x47: {  	[spmem:s2] =	stream.indirect.scatter.add.f32 [tilespmem:s18], [sflag:$0x2], $0x40, s30, s14, $0xb8;
	[tilespmem:$0x1D240] =	vst v63  }
0x48: {  	_ =	swait.ge [sflag:s20], $0x3200  }
0x49: {  	[sflag:s20] =	ssyncset.done $0x0  }
0x4a: {  	s30 =	sadd.s32 $0x258, s29;
	[sflag:s20] =	ssyncadd.s32 $0xFFFFCE00  }
0x4b: {  	[tilespmem:s15], [sflag:$0x1] =	stream.indirect.gather [hbm4b:s8+s14], $0x40, s30, s14, $0xb8;
	[tilespmem:$0x1D240] =	vst v63  }
0x4c: {  	_ =	swait.ge [sflag:s20], $0x3200  }
0x4d: {  	[sflag:s20] =	ssyncset.done $0x0  }
.Ltmp0:
0x4e: {  	s30 =	sadd.s32 $0x320, s29;
	[sflag:s20] =	ssyncadd.s32 $0xFFFFCE00;
	(pc) =	sbr.rel @p0 .LBB2_2-.Ltmp0, $4  }
0x4f: {  	[tilespmem:s16], [sflag:$0x1] =	stream.indirect.gather [hbm4b:s8+s14], $0x40, s30, s14, $0xb8;
	[tilespmem:$0x1D240] =	vst v63  }
0x50: {  	_ =	swait.ge [sflag:s20], $0x3200  }
0x51: {  	[sflag:s20] =	ssyncset.done $0x0  }
0x52: {  	s29 =	sadd.s32 $0x3E8, s29;
	[sflag:s20] =	ssyncadd.s32 $0xFFFFCE00  }
0x53: {  	[tilespmem:s18], [sflag:$0x1] =	stream.indirect.gather [hbm4b:s8+s14], $0x40, s29, s14, $0xb8;
	[tilespmem:$0x1D240] =	vst v63  }
0x54: {  	_ =	swait.ge [sflag:s19], $0x3200  }
0x55: {  	[sflag:s19] =	ssyncset.done $0x0  }
0x56: {  	[sflag:s19] =	ssyncadd.s32 $0xFFFFCE00  }
0x57: {  	[spmem:s2] =	stream.indirect.scatter.add.f32 [tilespmem:s15], [sflag:$0x2], $0x40, s21, s14, $0xb8;
	[tilespmem:$0x1D240] =	vst v63  }
0x58: {  	_ =	swait.ge [sflag:s19], $0x3200  }
0x59: {  	[sflag:s19] =	ssyncset.done $0x0  }
0x5a: {  	[sflag:s19] =	ssyncadd.s32 $0xFFFFCE00  }
0x5b: {  	[spmem:s2] =	stream.indirect.scatter.add.f32 [tilespmem:s16], [sflag:$0x2], $0x40, s22, s14, $0xb8;
	[tilespmem:$0x1D240] =	vst v63  }
0x5c: {  	_ =	swait.ge [sflag:s19], $0x3200  }
0x5d: {  	[sflag:s19] =	ssyncset.done $0x0  }
0x5e: {  	[sflag:s19] =	ssyncadd.s32 $0xFFFFCE00  }
0x5f: {  	[spmem:s2] =	stream.indirect.scatter.add.f32 [tilespmem:s18], [sflag:$0x2], $0x40, s23, s14, $0xb8;
	[tilespmem:$0x1D240] =	vst v63  }
0x60: {  	_ =	swait.ge [sflag:s20], $0x3200  }
0x61: {  	[sflag:s20] =	ssyncset.done $0x0  }
0x62: {  	[sflag:s20] =	ssyncadd.s32 $0xFFFFCE00  }
0x63: {  	[tilespmem:s15], [sflag:$0x1] =	stream.indirect.gather [hbm4b:s8+s14], $0x40, s24, s14, $0xb8;
	[tilespmem:$0x1D240] =	vst v63  }
0x64: {  	_ =	swait.ge [sflag:s20], $0x3200  }
0x65: {  	[sflag:s20] =	ssyncset.done $0x0  }
0x66: {  	[sflag:s20] =	ssyncadd.s32 $0xFFFFCE00  }
0x67: {  	[tilespmem:s16], [sflag:$0x1] =	stream.indirect.gather [hbm4b:s8+s14], $0x40, s24, s14, $0xb8;
	[tilespmem:$0x1D240] =	vst v63  }
0x68: {  	_ =	swait.ge [sflag:s20], $0x3200  }
0x69: {  	[sflag:s20] =	ssyncset.done $0x0  }
0x6a: {  	[sflag:s20] =	ssyncadd.s32 $0xFFFFCE00  }
0x6b: {  	[tilespmem:s18], [sflag:$0x1] =	stream.indirect.gather [hbm4b:s8+s14], $0x40, s24, s14, $0xb8;
	[tilespmem:$0x1D240] =	vst v63  }
0x6c: {  	_ =	swait.ge [sflag:s19], $0x3200  }
0x6d: {  	[sflag:s19] =	ssyncset.done $0x0  }
0x6e: {  	[sflag:s19] =	ssyncadd.s32 $0xFFFFCE00  }
0x6f: {  	[spmem:s2] =	stream.indirect.scatter.add.f32 [tilespmem:s15], [sflag:$0x2], $0x40, s25, s14, $0xb8;
	[tilespmem:$0x1D240] =	vst v63  }
0x70: {  	_ =	swait.ge [sflag:s19], $0x3200  }
0x71: {  	[sflag:s19] =	ssyncset.done $0x0  }
0x72: {  	[sflag:s19] =	ssyncadd.s32 $0xFFFFCE00  }
0x73: {  	_ =	swait.ge [sflag:s19], $0x3200  }
0x74: {  	[sflag:s19] =	ssyncset.done $0x0  }
0x75: {  	[sflag:s19] =	ssyncadd.s32 $0xFFFFCE00  }
0x76: {  	_ =	swait.ge [sflag:s20], $0x3200  }
0x77: {  	s26 =	sadd.s32 $0x1, s26;
	[sflag:s20] =	ssyncset.done $0x0  }
0x78: {  	p0 =	sne.s32 s26, s10;
	[sflag:s20] =	ssyncadd.s32 $0xFFFFCE00  }
.Ltmp1:
0x79: {  	[bflag:$0x0] =	sbarrier.arrive $0xFFFF;
	(pc) =	sbr.rel @p0 .LBB2_1-.Ltmp1, $4  }
0x7a: {  	[hbm:s9], [sflag:s5] =	dma.local [spmem:s11], $0x1400  }
0x7b: {  	_ =	swait.ge [sflag:s12], $0x1400  }
0x7c: {  	[sflag:s12] =	ssyncset.done $0x0  }
0x7d: {  	[sflag:s12] =	ssyncadd.s32 $0xFFFFEC00  }
0x7e: {  	_ =	sfence.sel $0x180000  }
0x7f: {  	[bflag:$0x0] =	sbarrier.arrive $0xFFFF  }
0x80: {  	p0 =	sne.s32 s0, $0x0;
	_ =	strace $0x9000004D  }
0x81: {  	s0 =	sadd.s32 @!p0 $0x100000, s1;
	[bflag:$0x2] =	sbarrier.arrive $0xFFFF  }
0x82: {  	[sflag:s0] =	ssyncadd.tile.s32 @!p0 $0x1;
	_ =	shalt  }
.Lfunc_end2:
_tile_overlayer_lowered:
.L_overlay_start_2:
0x83: {  	(tag) =	ssettag $0x2  }
0x84: {  	s0 =	rddreg [dreg:$0x0];
	s2 =	stileid.u32  }
0x85: {  	s1 =	rddreg [dreg:$0x1];
	p0 =	sne.s32 s2, $0x0  }
0x86: {  	s3 =	rddreg [dreg:$0x2];
	[bflag:$0x3] =	sbarrier.arrive $0xFFFF;
	s2 =	simm.s32 @!p0 $0x1C03  }
0x87: {  	[timem:s3], [sflag:s2] =	dma.local @!p0 [hbm:s0], s1  }
0x88: {  	s0 =	simm.s32 @!p0 $0x3  }
0x89: {  	_ =	swait.ge @!p0 [sflag:s0], s1  }
0x8a: {  	s1 =	ssub.s32 @!p0 $0x0, s1;
	[sflag:s0] =	ssyncset.done @!p0 $0x0  }
0x8b: {  	[sflag:s0] =	ssyncadd.s32 @!p0 s1  }
0x8c: {  	[bflag:$0x3] =	sbarrier.arrive $0xFFFF  }
0x8d: {  	_ =	shalt  }

// kernel: kernel.8.cloned.1.call-start
scs
__scs_entry_jumppad:
0x0: {  	(pc) =	sbr.rel $0x88, $3  }
0x1: {  	(tag) =	ssettag $0x0;
	lr =	simm.s32 $0x1  }
0x2: {  	[smem:$0x3F9B] =	sst lr;
	_ =	strace $0xD0000000  }
0x3: {  	_ = 	snop  }
0x4: {  	_ = 	snop  }
0x5: {  	_ = 	snop  }
0x6: {  	_ = 	snop  }
0x7: {  	_ = 	snop  }
__scs_overlays_trampoline_lowered:
0x8: {  	[smem:$0x3FAA] =	sst s0  }
0x9: {  	[smem:$0x3FAB] =	sst s1  }
0xa: {  	[smem:$0x3FAC] =	sst s2  }
0xb: {  	[smem:$0x3FAD] =	sst s3  }
0xc: {  	[smem:$0x3FAE] =	sst s4  }
0xd: {  	[smem:$0x3FAF] =	sst s5  }
0xe: {  	[smem:$0x3FB0] =	sst s6  }
0xf: {  	[smem:$0x3FB1] =	sst s7  }
0x10: {  	[smem:$0x3FB2] =	sst s8  }
0x11: {  	[smem:$0x3FB3] =	sst s9;
	s0 =	simm.s32 @!p0 $0x0  }
0x12: {  	s1 =	sld [smem:$0x3F99];
	s0 =	simm.s32 @p0 $0x1  }
0x13: {  	[smem:$0x3FB4] =	sst s0;
	s0 =	simm.s32 @!p1 $0x0  }
0x14: {  	s2 =	sld [smem:$0x3F98];
	s0 =	simm.s32 @p1 $0x1  }
0x15: {  	[smem:$0x3FB5] =	sst s0;
	s0 =	simm.s32 @!p2 $0x0  }
0x16: {  	s3 =	sld [smem:$0x3FDB];
	s0 =	simm.s32 @p2 $0x1  }
0x17: {  	s4 =	simm.s32 $0x1BF5;
	[smem:$0x3FB7] =	sst s0  }
0x18: {  	s0 =	sld [smem:$0x3F9A];
	_ =	swait.ge [sflag:s4], $0x0  }
0x19: {  	s7 =	sld [smem:$0x3F9B]  }
0x1a: {  	s8 =	sadd.s32 $0xFFFFE003, lr  }
0x1b: {  	s9 =	sadd.s32 $0xFFFFFEF7, lr;
	s5 =	simm.s32 $0xFFFFFFFF;
	p2 =	slt.u32 s8, $0xFFFFF086  }
0x1c: {  	p1 =	slt.u32 s9, $0xF7A;
	s5 =	simm.s32 @!p2 $0x0  }
0x1d: {  	s5 =	simm.s32 @p1 $0x1;
	p0 =	seq.s32 s7, s2  }
0x1e: {  	s7 =	smul.u32 @!p0 $0xF7A, s2;
	p2 =	seq.s32 @!p0 s5, $0x0  }
0x1f: {  	s9 =	smul.u32 $0xF7A, s1;
	s8 =	simm.s32 @!p0 $0x1BF5;
	p2 =	por !p2, p0  }
0x20: {  	[sflag:s8] =	ssyncset.s32 @!p0 $0xFFFFF086;
	s6 =	sadd.s32 @!p0 s3, s7;
	s7 =	simm.s32 @!p0 $0x108  }
0x21: {  	s3 =	sadd.s32 s3, s9;
	s6 =	sadd.s32 @!p0 $0x88, s6;
	s7 =	simm.s32 @p2 $0x1082  }
0x22: {  	[simem:s7], [sflag:s8] =	dma.local @!p0 [hbm:s6], $0xF7A  }
0x23: {  	s9 =	sor.u32 $0xD0000000, s2;
	s6 =	simm.s32 $0x108;
	_ =	swait.ge @!p0 [sflag:s8], $0x0  }
0x24: {  	s3 =	sadd.s32 $0x88, s3;
	s6 =	simm.s32 @!p1 $0x1082;
	[sflag:s4] =	ssyncset.s32 $0xFFFFF086  }
0x25: {  	[simem:s6], [sflag:s4] =	dma.local [hbm:s3], $0xF7A  }
0x26: {  	[smem:$0x3F9B] =	sst s1;
	(tag) =	ssettag s2;
	_ =	strace s9  }
0x27: {  	s1 =	sld [smem:$0x3FAB]  }
0x28: {  	s2 =	sld [smem:$0x3FAC]  }
0x29: {  	s4 =	sld [smem:$0x3FAE]  }
0x2a: {  	p0 =	seq.s32 s5, $0x0;
	s5 =	sld [smem:$0x3FAF]  }
0x2b: {  	s6 =	sld [smem:$0x3FB0]  }
0x2c: {  	s7 =	sld [smem:$0x3FB1]  }
0x2d: {  	s3 =	simm.s32 $0x108;
	s8 =	sld [smem:$0x3FB2]  }
0x2e: {  	s3 =	simm.s32 @!p0 $0x1082;
	s9 =	sld [smem:$0x3FB3]  }
0x2f: {  	lr =	sadd.s32 s0, s3;
	s0 =	sld [smem:$0x3FAA]  }
0x30: {  	s3 =	sld [smem:$0x3FAD]  }
0x31: {  	[smem:$0x3FB6] =	sst s10  }
0x32: {  	s10 =	sld [smem:$0x3FB4];
	_ =	sdelay $0x3  }
0x33: {  	p0 =	seq.s32 s10, $0x1;
	s10 =	sld [smem:$0x3FB6];
	_ =	sdelay $0x3  }
0x34: {  	[smem:$0x3FB6] =	sst s10  }
0x35: {  	s10 =	sld [smem:$0x3FB5];
	_ =	sdelay $0x3  }
0x36: {  	p1 =	seq.s32 s10, $0x1;
	s10 =	sld [smem:$0x3FB6];
	_ =	sdelay $0x3  }
0x37: {  	[smem:$0x3FB6] =	sst s10  }
0x38: {  	s10 =	sld [smem:$0x3FB7]  }
0x39: {  	_ = 	snop;
	(pc) =	sbr.ind lr, $3  }
0x3a: {  	_ = 	snop  }
0x3b: {  	_ = 	snop  }
0x3c: {  	p2 =	seq.s32 s10, $0x1;
	s10 =	sld [smem:$0x3FB6]  }
0x3d: {  	_ =	shalt  }
0x3e: {  	_ =	shalt  }
0x3f: {  	_ =	shalt  }
0x40: {  	_ =	shalt  }
0x41: {  	_ =	shalt  }
0x42: {  	_ =	shalt  }
0x43: {  	_ =	shalt  }
0x44: {  	_ =	shalt  }
0x45: {  	_ =	shalt  }
0x46: {  	_ =	shalt  }
0x47: {  	_ =	shalt  }
0x48: {  	_ =	shalt  }
0x49: {  	_ =	shalt  }
0x4a: {  	_ =	shalt  }
0x4b: {  	_ =	shalt  }
0x4c: {  	_ =	shalt  }
0x4d: {  	_ =	shalt  }
0x4e: {  	_ =	shalt  }
0x4f: {  	_ =	shalt  }
0x50: {  	_ =	shalt  }
0x51: {  	_ =	shalt  }
0x52: {  	_ =	shalt  }
0x53: {  	_ =	shalt  }
0x54: {  	_ =	shalt  }
0x55: {  	_ =	shalt  }
0x56: {  	_ =	shalt  }
0x57: {  	_ =	shalt  }
0x58: {  	_ =	shalt  }
0x59: {  	_ =	shalt  }
0x5a: {  	_ =	shalt  }
0x5b: {  	_ =	shalt  }
0x5c: {  	_ =	shalt  }
0x5d: {  	_ =	shalt  }
0x5e: {  	_ =	shalt  }
0x5f: {  	_ =	shalt  }
0x60: {  	_ =	shalt  }
0x61: {  	_ =	shalt  }
0x62: {  	_ =	shalt  }
0x63: {  	_ =	shalt  }
0x64: {  	_ =	shalt  }
0x65: {  	_ =	shalt  }
0x66: {  	_ =	shalt  }
0x67: {  	_ =	shalt  }
0x68: {  	_ =	shalt  }
0x69: {  	_ =	shalt  }
0x6a: {  	_ =	shalt  }
0x6b: {  	_ =	shalt  }
0x6c: {  	_ =	shalt  }
0x6d: {  	_ =	shalt  }
0x6e: {  	_ =	shalt  }
0x6f: {  	_ =	shalt  }
0x70: {  	_ =	shalt  }
0x71: {  	_ =	shalt  }
0x72: {  	_ =	shalt  }
0x73: {  	_ =	shalt  }
0x74: {  	_ =	shalt  }
0x75: {  	_ =	shalt  }
0x76: {  	_ =	shalt  }
0x77: {  	_ =	shalt  }
0x78: {  	_ =	shalt  }
0x79: {  	_ =	shalt  }
0x7a: {  	_ =	shalt  }
0x7b: {  	_ =	shalt  }
0x7c: {  	_ =	shalt  }
0x7d: {  	_ =	shalt  }
0x7e: {  	_ =	shalt  }
0x7f: {  	_ =	shalt  }
0x80: {  	_ =	shalt  }
0x81: {  	_ =	shalt  }
0x82: {  	_ =	shalt  }
0x83: {  	_ =	shalt  }
0x84: {  	_ =	shalt  }
0x85: {  	_ =	shalt  }
0x86: {  	_ =	shalt  }
0x87: {  	_ =	shalt  }
.Lfunc_end0:
.L_simem_size_0:
called_computation_lowered:
.L_overlay_start_0:
0x88: {  	s2 =	sld [smem:$0x3FD9]  }
0x89: {  	s3 =	sld [smem:$0x3FFE];
	_ =	sdelay $0x1  }
0x8a: {  	s1 =	srdreg.scid  }
0x8b: {  	s0 =	sand.u32 $0x1, s1  }
0x8c: {  	s17 =	sshll.u32 s0, $0xA;
	s2 =	sadd.s32 s3, s2  }
0x8d: {  	s2 =	sadd.s32 s2, s17  }
0x8e: {  	[smem:$0x3FC2] =	sst s2  }
0x8f: {  	_ = 	snop  }
0x90: {  	s2 =	sld [smem:$0x3FD0];
	(tm) =	ssettm $0x1  }
0x91: {  	s18 =	sld [smem:$0x3FFB];
	_ =	sdelay $0x3  }
0x92: {  	_ =	strace s18  }
0x93: {  	s3 =	sld [smem:$0x3FFC];
	_ =	sdelay $0x3  }
0x94: {  	_ =	strace s3  }
0x95: {  	s3 =	sld [smem:$0x3FFD];
	_ =	sdelay $0x3  }
0x96: {  	_ =	strace s3  }
0x97: {  	_ =	strace $0x8FFFFFFF  }
0x98: {  	s19 =	sld [smem:$0x3FDB];
	_ =	sdelay $0x1  }
0x99: {  	s4 =	simm.s32 $_scs_section_size  }
0x9a: {  	s5 =	simm.s32 $_size__tile_overlayer_lowered;
	s6 =	simm.s32 $_tile_overlayer_lowered  }
0x9b: {  	s22 =	simm.s32 $0x1BFF;
	s21 =	sshll.u32 s6, $0x1;
	s3 =	sadd.s32 s4, s19  }
0x9c: {  	s7 =	simm.s32 $0x0;
	s20 =	sshll.u32 s5, $0x1;
	s5 =	sadd.s32 s21, s3  }
0x9d: {  	[timem:s7], [sflag:s22] =	dma.local [hbm:s5], s20  }
0x9e: {  	_ =	swait.ge [sflag:s22], s20  }
0x9f: {  	s4 =	ssub.s32 $0x0, s20;
	[sflag:s22] =	ssyncset.done $0x0  }
0xa0: {  	[sflag:s22] =	ssyncadd.s32 s4;
	_ =	sdelay $0x1  }
0xa1: {  	s23 =	simm.s32 $0x1B8B  }
0xa2: {  	_ =	swait.ge [sflag:s23], $0x1  }
0xa3: {  	[sflag:s23] =	ssyncset.done $0x0  }
0xa4: {  	s25 =	simm.s32 $0x1B8E;
	s24 =	sld [smem:$0x3FFE];
	[sflag:s23] =	ssyncadd.s32 $0xFFFFFFFF  }
0xa5: {  	s26 =	simm.s32 $execute0_lowered;
	[smem:$0x3FD2] =	sst s25  }
0xa6: {  	s5 =	sshll.u32 s26, $0x1;
	_ =	strace $0x80000046;
	[dreg:$0x1] =	wrdreg $0xFFFFFFFF  }
0xa7: {  	s28 =	simm.s32 $_size_execute0_lowered;
	s3 =	sadd.s32 s3, s5;
	[dreg:$0x0] =	wrdreg $0x0  }
0xa8: {  	s5 =	sshll.u32 s28, $0x1;
	[dreg:$0x2] =	wrdreg s3  }
0xa9: {  	[dreg:$0x3] =	wrdreg s5  }
0xaa: {  	[dreg:$0x4] =	wrdreg $0xC0  }
0xab: {  	_ =	task [dreg:s7], $0x5FFFF  }
0xac: {  	[dreg:$0x1] =	wrdreg $0xFFFFFFFF  }
0xad: {  	[dreg:$0x0] =	wrdreg $0x60  }
0xae: {  	[dreg:$0x2] =	wrdreg s24  }
0xaf: {  	[dreg:$0x3] =	wrdreg s2  }
0xb0: {  	[dreg:$0x4] =	wrdreg $0x34100  }
0xb1: {  	[dreg:$0x5] =	wrdreg $0x9  }
0xb2: {  	_ =	task.clear_ibuf [dreg:s7], $0x6FFFF;
	_ =	strace $0x90000046  }
0xb3: {  	s29 =	simm.s32 $0x9;
	_ =	strace $0x80000048  }
0xb4: {  	_ =	swait.ge [sflag:s29], $0x1  }
0xb5: {  	[sflag:s29] =	ssyncadd.s32 $0xFFFFFFFF  }
0xb6: {  	_ =	strace $0x90000048  }
0xb7: {  	_ =	sfence  }
0xb8: {  	s30 =	sld [smem:$0x0];
	_ =	sdelay $0x2  }
0xb9: {  	s31 =	sshll.u32 s1, $0xD;
	s1 =	sshrl.u32 s1, $0x2  }
0xba: {  	s3 =	sand.u32 $0x4000, s31;
	s1 =	sadd.s32 s1, s30  }
0xbb: {  	s0 =	sor.u32 s3, s0;
	s1 =	sshll.u32 s1, $0x11  }
0xbc: {  	s0 =	sor.u32 s1, s0  }
0xbd: {  	s0 =	sadd.s32 $0x8F2B, s0  }
0xbe: {  	[sflag:s0] =	ssyncadd.remote.s32 $0x1  }
0xbf: {  	_ =	sfence.sel $0xFFFF  }
0xc0: {  	[dreg:$0x0] =	wrdreg $0xFFFFFFFF;
	(pc) =	sbr.abs _section_cstart, $3  }
0xc1: {  	[dreg:$0x1] =	wrdreg $0xFFFFFFFF  }
0xc2: {  	_ =	task.clear_ibuf [dreg:s7], $0x2FFFF;
	_ =	strace $0x9FFFFFFF  }
0xc3: {  	(tm) =	ssettm $0x7FFFFFFF  }
tec
execute0_lowered:
.L_overlay_start_1:
0x0: {  	(tag) =	ssettag $0x1  }
0x1: {  	s4 =	rddreg [dreg:$0x0]  }
0x2: {  	s1 =	srdreg.scid;
	s10 =	rddreg [dreg:$0x1]  }
0x3: {  	s0 =	stileid.u32;
	s2 =	rddreg [dreg:$0x2];
	s3 =	simm.s32 $0x0  }
0x4: {  	s14 =	simm.s32 $0x50;
	s15 =	simm.s32 $0x2710;
	s5 =	sand.u32 $0x1, s1  }
0x5: {  	s26 =	sshll.u32 s0, $0x1;
	s1 =	rddreg [dreg:$0x3];
	s7 =	smul.u32 $0xA000, s0  }
0x6: {  	[smem:$0x7FF] =	sst s3;
	s8 =	smul.u32 $0x2800, s0;
	s16 =	sshll.u32 s0, $0x6  }
0x7: {  	s6 =	sor.u32 s5, s26;
	_ =	strace $0x80000047;
	s12 =	smul.u32 $0x28000, s5  }
0x8: {  	s28 =	ssub.s32 $0x2, s5;
	s6 =	smul.u32 $0x4E2, s6;
	s29 =	sshrl.u32 s7, $0x2  }
0x9: {  	s16 =	sor.u32 $0x1C01, s16;
	s30 =	sshrl.u32 s28, $0x1;
	s11 =	sadd.s32 s29, s2  }
0xa: {  	s13 =	ssub.s32 s28, s30;
	s12 =	sadd.s32 s8, s12;
	s9 =	sadd.s32 s6, s4  }
0xb: {  	s4 =	sadd.s32 s8, s2;
	s5 =	sadd.s32 $0x800, s11;
	s6 =	sadd.s32 $0x1000, s11  }
0xc: {  	s7 =	sadd.s32 $0x1800, s11;
	s8 =	sadd.s32 $0x2000, s11;
	s31 =	sshrl.u32 s12, $0x3  }
0xd: {  	s11 =	smax.u32 s13, $0x1;
	s12 =	simm.s32 $0x2C10;
	s13 =	simm.s32 $0x1  }
0xe: {  	v0 =	vimm.f32 $1.000000000e+00;
	v1 =	vimm.f32 $0.0e+00;
	s9 =	sadd.s32 $0xC200, s9;
	s10 =	sadd.s32 s10, s31;
	s17 =	sshrl.u32 s4, $0x3  }
.LBB2_1:
0xf: {  	s18 =	simm.s32 $0x0  }
.LBB2_2:
0x10: {  	p0 =	sne.s32 s18, $0x13C0  }
.Ltmp0:
0x11: {  	_ = 	snop;
	(pc) =	sbr.rel @p0 .LBB2_2-.Ltmp0, $3  }
0x12: {  	_ =	sdelay $0x1  }
0x13: {  	s19 =	sshra.s32 s18, $0x2  }
0x14: {  	s18 =	sadd.s32 $0x40, s18;
	[tilespmem:s19+$0x2710] =	vst v0  }
0x15: {  	s18 =	simm.s32 $0x40;
	s19 =	simm.s32 $0x0  }
.LBB2_4:
0x16: {  	p0 =	sne.s32 s18, $0x1FC0;
	[tilespmem:s19+$0x2C10] =	vst v1;
	s19 =	smov.u32 s18;
	s18 =	sadd.s32 $0x40, s18  }
.Ltmp1:
0x17: {  	(pc) =	sbr.rel @p0 .LBB2_4-.Ltmp1, $2  }
0x18: {  	_ =	sdelay $0x2  }
0x19: {  	s19 =	sshra.s32 s19, $0x2  }
0x1a: {  	[tilespmem:s19+$0x2C10] =	vst v1  }
0x1b: {  	[spmem:s4] =	stream.linear.scatter [tilespmem:s12], [sflag:$0x1], $0x800, $0x38;
	[tilespmem:$0x5C10] =	vst v63  }
0x1c: {  	_ =	swait.ge [sflag:s13], $0x800  }
0x1d: {  	[sflag:s13] =	ssyncset.done $0x0  }
0x1e: {  	[sflag:s13] =	ssyncadd.s32 $0xFFFFF800  }
0x1f: {  	[spmem:s5] =	stream.linear.scatter [tilespmem:s12], [sflag:$0x1], $0x800, $0x38;
	[tilespmem:$0x5C10] =	vst v63  }
0x20: {  	_ =	swait.ge [sflag:s13], $0x800  }
0x21: {  	[sflag:s13] =	ssyncset.done $0x0  }
0x22: {  	[sflag:s13] =	ssyncadd.s32 $0xFFFFF800  }
0x23: {  	[spmem:s6] =	stream.linear.scatter [tilespmem:s12], [sflag:$0x1], $0x800, $0x38;
	[tilespmem:$0x5C10] =	vst v63  }
0x24: {  	_ =	swait.ge [sflag:s13], $0x800  }
0x25: {  	[sflag:s13] =	ssyncset.done $0x0  }
0x26: {  	[sflag:s13] =	ssyncadd.s32 $0xFFFFF800  }
0x27: {  	[spmem:s7] =	stream.linear.scatter [tilespmem:s12], [sflag:$0x1], $0x800, $0x38;
	[tilespmem:$0x5C10] =	vst v63  }
0x28: {  	_ =	swait.ge [sflag:s13], $0x800  }
0x29: {  	[sflag:s13] =	ssyncset.done $0x0  }
0x2a: {  	[sflag:s13] =	ssyncadd.s32 $0xFFFFF800  }
0x2b: {  	[spmem:s8] =	stream.linear.scatter [tilespmem:s12], [sflag:$0x1], $0x800, $0x38;
	[tilespmem:$0x5C10] =	vst v63  }
0x2c: {  	_ =	swait.ge [sflag:s13], $0x800  }
0x2d: {  	[sflag:s13] =	ssyncset.done $0x0  }
0x2e: {  	[sflag:s13] =	ssyncadd.s32 $0xFFFFF800  }
0x2f: {  	s18 =	simm.s32 $0x0;
	[bflag:$0x0] =	sbarrier.arrive $0xFFFF  }
0x30: {  	[tilespmem:s18], [sflag:$0x1] =	stream.linear.gather [hbm4b:s9+s18], $0x2710, $0x38;
	[tilespmem:$0x5C10] =	vst v63  }
0x31: {  	_ =	swait.ge [sflag:s13], $0x2710  }
0x32: {  	[sflag:s13] =	ssyncset.done $0x0  }
0x33: {  	s31 =	simm.s32 $0x0;
	[sflag:s13] =	ssyncadd.s32 $0xFFFFD8F0  }
0x34: {  	[spmem:s2] =	stream.indirect.scatter.add.f32 [tilespmem:s15], [sflag:$0x1], $0x10, s31, s14, $0xb8;
	[tilespmem:$0x5C10] =	vst v63  }
0x35: {  	_ =	swait.ge [sflag:s13], $0x500  }
0x36: {  	s18 =	simm.s32 $0x140;
	[sflag:s13] =	ssyncset.done $0x0  }
.LBB2_6:
0x37: {  	s19 =	sshra.s32 s18, $0x2;
	[sflag:s13] =	ssyncadd.s32 $0xFFFFFB00;
	p0 =	sne.s32 s18, $0x9B00  }
0x38: {  	[spmem:s2] =	stream.indirect.scatter.add.f32 [tilespmem:s15], [sflag:$0x1], $0x10, s19, s14, $0xb8;
	[tilespmem:$0x5C10] =	vst v63  }
.Ltmp2:
0x39: {  	_ = 	snop;
	(pc) =	sbr.rel @p0 .LBB2_6-.Ltmp2, $4  }
0x3a: {  	_ = 	snop  }
0x3b: {  	s18 =	sadd.s32 $0x140, s18  }
0x3c: {  	_ =	swait.ge [sflag:s13], $0x500  }
0x3d: {  	[sflag:s13] =	ssyncset.done $0x0  }
0x3e: {  	s3 =	sadd.s32 $0x1, s3  }
0x3f: {  	[sflag:s13] =	ssyncadd.s32 $0xFFFFFB00;
	p0 =	sne.s32 s3, s11  }
.Ltmp3:
0x40: {  	[bflag:$0x0] =	sbarrier.arrive $0xFFFF;
	(pc) =	sbr.rel @p0 .LBB2_1-.Ltmp3, $4  }
0x41: {  	[hbm:s10], [sflag:s16] =	dma.local [spmem:s17], $0x500  }
0x42: {  	_ =	swait.ge [sflag:s13], $0x500  }
0x43: {  	[sflag:s13] =	ssyncset.done $0x0  }
0x44: {  	[sflag:s13] =	ssyncadd.s32 $0xFFFFFB00  }
0x45: {  	_ =	sfence.sel $0x180000  }
0x46: {  	[bflag:$0x0] =	sbarrier.arrive $0xFFFF  }
0x47: {  	p0 =	sne.s32 s0, $0x0;
	_ =	strace $0x90000047  }
0x48: {  	s0 =	sadd.s32 @!p0 $0x100000, s1;
	[bflag:$0x2] =	sbarrier.arrive $0xFFFF  }
0x49: {  	[sflag:s0] =	ssyncadd.tile.s32 @!p0 $0x1;
	_ =	shalt  }
.Lfunc_end2:
_tile_overlayer_lowered:
.L_overlay_start_2:
0x4a: {  	(tag) =	ssettag $0x2  }
0x4b: {  	s0 =	rddreg [dreg:$0x0];
	s2 =	stileid.u32  }
0x4c: {  	s1 =	rddreg [dreg:$0x1];
	p0 =	sne.s32 s2, $0x0  }
0x4d: {  	s3 =	rddreg [dreg:$0x2];
	[bflag:$0x3] =	sbarrier.arrive $0xFFFF;
	s2 =	simm.s32 @!p0 $0x1C01  }
0x4e: {  	[timem:s3], [sflag:s2] =	dma.local @!p0 [hbm:s0], s1  }
0x4f: {  	s0 =	simm.s32 @!p0 $0x1  }
0x50: {  	_ =	swait.ge @!p0 [sflag:s0], s1  }
0x51: {  	s1 =	ssub.s32 @!p0 $0x0, s1;
	[sflag:s0] =	ssyncset.done @!p0 $0x0  }
0x52: {  	[sflag:s0] =	ssyncadd.s32 @!p0 s1  }
0x53: {  	[bflag:$0x3] =	sbarrier.arrive $0xFFFF  }
0x54: {  	_ =	shalt  }

</sc_bundles>
